<compile_context>
chip_gen: v7x
topology: tpu7x:2x2x1
jax: 0.10.2.dev20260603
libtpu: 0.0.44.dev20260713+nightly
codegen_flags: <defaults>
</compile_context>

<pallas_src>
import functools

import jax
import jax.numpy as jnp
from jax import lax
from jax.experimental import pallas as pl
from jax.experimental.pallas import tpu as pltpu
from jax.experimental.pallas import tpu_sc as plsc

B, Y, X, BINS = 128, 96, 96, 64
KP = 17
Z_SIZE = 1.0
NROWS = B * KP
NC, NS, L = 2, 16, 16
NW = NC * NS
RPW = NROWS // NW
RPAD = 80
GRP = RPAD // L
ZC = BINS // L
GA = 2
GB = GRP - GA
RA = GA * L


def _tec_body(feat_hbm, idx_hbm, pose_out, prob_out,
              bxy_v, eidx_a, eidx_b, rows_a, rows_b, probs_v, poses_v,
              sem_a, sem_b, sem_w):
    wid = lax.axis_index("s") * NC + lax.axis_index("c")
    pltpu.sync_copy(idx_hbm.at[pl.ds(wid * (3 * RPAD), 3 * RPAD)], bxy_v)

    lane = lax.iota(jnp.int32, L)
    zoffs = [(lane + kz * L) * B for kz in range(ZC)]

    def eidx_chunk(eidx_ref, g0, ng):
        def body(c, carry):
            c16 = pl.multiple_of(c * L, L)
            l16 = pl.multiple_of((c - g0) * L, L)
            bi = bxy_v[pl.ds(c16, L)]
            yi = bxy_v[pl.ds(RPAD + c16, L)]
            xi = bxy_v[pl.ds(2 * RPAD + c16, L)]
            ei = (yi * X + xi) * (BINS * B) + bi
            for j in range(L):
                ebase = lax.broadcast_in_dim(ei[j], (L,), ())
                roff = (l16 + j) * BINS
                for kz in range(ZC):
                    eidx_ref[pl.ds(roff + kz * L, L)] = ebase + zoffs[kz]
            return carry

        lax.fori_loop(g0, g0 + ng, body, 0)

    eidx_chunk(eidx_a, 0, GA)
    cp_a = pltpu.async_copy(feat_hbm.at[eidx_a], rows_a, sem_a)
    eidx_chunk(eidx_b, GA, GB)
    cp_b = pltpu.async_copy(feat_hbm.at[eidx_b], rows_b, sem_b)

    locs = [(lax.iota(jnp.int32, L) + k * L).astype(jnp.float32)
            * (2.0 * Z_SIZE / (BINS - 1)) - Z_SIZE for k in range(ZC)]

    def softmax_chunk(rows_ref, g0, ng):
        def group_body(g, carry):
            g16 = pl.multiple_of(g * L, L)
            l16 = pl.multiple_of((g - g0) * L, L)

            def row_body(j, acc):
                roff = (l16 + j) * BINS
                vs = [rows_ref[pl.ds(roff + k * L, L)] for k in range(ZC)]
                es = [jnp.exp(v) for v in vs]
                s = jnp.sum(es[0] + es[1] + es[2] + es[3])
                w = jnp.sum(es[0] * locs[0] + es[1] * locs[1]
                            + es[2] * locs[2] + es[3] * locs[3])
                invv = 1.0 / lax.broadcast_in_dim(s, (L,), ())
                for k in range(ZC):
                    probs_v[g16 + j, pl.ds(k * L, L)] = es[k] * invv
                return jnp.where(lane == j,
                                 lax.broadcast_in_dim(w, (L,), ()) * invv,
                                 acc)

            acc = lax.fori_loop(0, L, row_body, jnp.zeros((L,), jnp.float32))
            poses_v[pl.ds(g16, L)] = acc
            return carry

        lax.fori_loop(g0, g0 + ng, group_body, 0)

    cp_a.wait()
    softmax_chunk(rows_a, 0, GA)
    wp_a = pltpu.async_copy(probs_v.at[pl.ds(0, RA)],
                            prob_out.at[pl.ds(wid * RPW, RA)], sem_w)
    cp_b.wait()
    softmax_chunk(rows_b, GA, GB)
    wp_b = pltpu.async_copy(probs_v.at[pl.ds(RA, RPW - RA)],
                            prob_out.at[pl.ds(wid * RPW + RA, RPW - RA)],
                            sem_w)
    pltpu.sync_copy(poses_v.at[pl.ds(0, RPW)], pose_out.at[wid])
    wp_a.wait()
    wp_b.wait()


@functools.partial(jax.jit)
def _sc_extract(feat, idx_flat):
    run = functools.partial(
        pl.kernel,
        out_type=[
            jax.ShapeDtypeStruct((NW, RPW), jnp.float32),
            jax.ShapeDtypeStruct((NROWS, BINS), jnp.float32),
        ],
        mesh=plsc.VectorSubcoreMesh(core_axis_name="c", subcore_axis_name="s"),
        compiler_params=pltpu.CompilerParams(
            needs_layout_passes=False, use_tc_tiling_on_sc=False),
        scratch_types=[
            pltpu.VMEM((3 * RPAD,), jnp.int32),
            pltpu.VMEM((RA * BINS,), jnp.int32),
            pltpu.VMEM(((RPAD - RA) * BINS,), jnp.int32),
            pltpu.VMEM((RA * BINS,), jnp.float32),
            pltpu.VMEM(((RPAD - RA) * BINS,), jnp.float32),
            pltpu.VMEM((RPAD, BINS), jnp.float32),
            pltpu.VMEM((RPAD,), jnp.float32),
            pltpu.SemaphoreType.DMA,
            pltpu.SemaphoreType.DMA,
            pltpu.SemaphoreType.DMA,
        ],
    )(_tec_body)
    return run(feat, idx_flat)


def kernel(features_z, pose_indexes):
    feat = features_z.transpose(1, 2, 3, 0).reshape(-1)
    pidx = jnp.pad(pose_indexes.reshape(NW, RPW, 3),
                   ((0, 0), (0, RPAD - RPW), (0, 0)))
    idx_flat = pidx.transpose(0, 2, 1).reshape(-1)
    poses, probs = _sc_extract(feat, idx_flat)
    return poses.reshape(B, KP), probs.reshape(B, KP, BINS)

# --- scband reference (transcript-rebuilt; emitter-appended) ---
"""Pipeline reference for scband-slim-train-zextractor-2147483648396 (READ-ONLY COPY).

The authoritative reference and input builder live on the scoring server;
editing this copy changes nothing except your own understanding.
"""

import jax, jax.numpy as jnp
import numpy as np

B, Y, X, BINS = 128, 96, 96, 64
KP = 17
Z_SIZE = 1.0  # config.model.data.cut_delta


def setup_inputs(seed: int = 0) -> dict:
    key = jax.random.key(seed)
    k1, k2 = jax.random.split(key)
    features_z = jax.random.normal(k1, (B, Y, X, BINS), dtype=jnp.float32)
    pose_indexes = jax.random.randint(k2, (B, KP, 3), 0, 96, dtype=jnp.int32)
    return {"features_z": features_z, "pose_indexes": pose_indexes}


def reference(features_z, pose_indexes):
    # tf.gather_nd(features_z, pose_indexes): pose_indexes[..., :] = (b, y, x)
    b_idx = pose_indexes[..., 0]
    y_idx = pose_indexes[..., 1]
    x_idx = pose_indexes[..., 2]
    relevant_features = features_z[b_idx, y_idx, x_idx]  # [B, KP, BINS]
    # heatmap_1d.feature_to_location_propability_map: softmax over bins
    pose_prob_maps_z = jax.nn.softmax(relevant_features, axis=-1)
    # heatmap_1d.LocationMap(bins, min_loc=-z, max_loc=+z): evenly spaced bin centers
    loc_map_z = jnp.linspace(-Z_SIZE, Z_SIZE, BINS, dtype=jnp.float32)
    # propability_map_to_location: soft-argmax (expected location)
    poses_z = jnp.sum(pose_prob_maps_z * loc_map_z, axis=-1)  # [B, KP]
    return (poses_z, pose_prob_maps_z)

if __name__ == "__main__":
    import jax
    _d = setup_inputs()
    print(jax.jit(kernel)(*tuple(_d.values())))

</pallas_src>

<mosaic_0001>
#map = affine_map<(d0, d1) -> (0)>
#map1 = affine_map<(d0, d1) -> (0, 0)>
module attributes {stable_mosaic.version = 14 : i64} {
  func.func @_tec_body(%arg0: i32, %arg1: i32, %arg2: memref<75497472xf32, #tpu.memory_space<hbm>>, %arg3: memref<7680xi32, #tpu.memory_space<hbm>>, %arg4: memref<32x68xf32, #tpu.memory_space<hbm>>, %arg5: memref<2176x64xf32, #tpu.memory_space<hbm>>, %arg6: memref<240xi32, #tpu.memory_space<vmem>>, %arg7: memref<2048xi32, #tpu.memory_space<vmem>>, %arg8: memref<3072xi32, #tpu.memory_space<vmem>>, %arg9: memref<2048xf32, #tpu.memory_space<vmem>>, %arg10: memref<3072xf32, #tpu.memory_space<vmem>>, %arg11: memref<80x64xf32, #tpu.memory_space<vmem>>, %arg12: memref<80xf32, #tpu.memory_space<vmem>>, %arg13: memref<!tpu.dma_semaphore, #tpu.memory_space<semaphore_mem>>, %arg14: memref<!tpu.dma_semaphore, #tpu.memory_space<semaphore_mem>>, %arg15: memref<!tpu.dma_semaphore, #tpu.memory_space<semaphore_mem>>) attributes {dimension_semantics = [#tpu.dimension_semantics<core_parallel>, #tpu.dimension_semantics<subcore_parallel>], iteration_bounds = array<i64: 2, 16>, scalar_prefetch = 0 : i64, scratch_operands = 10 : i64, tpu.core_type = #tpu.core_type<sc_vector_subcore>, window_params = [{transform_indices = #map}, {transform_indices = #map}, {transform_indices = #map1}, {transform_indices = #map1}]} {
    %mul3A = arith.constant 2 : i32
    %mul3A_0 = arith.muli %arg1, %mul3A : i32
    %add3A = arith.addi %mul3A_0, %arg0 : i32
    %mul3A_1 = arith.constant 240 : i32
    %mul3A_2 = arith.muli %add3A, %mul3A_1 : i32
    "tpu.region"() ({
      %run_scoped3A = tpu.sem_alloc : memref<!tpu.dma_semaphore, #tpu.memory_space<semaphore_mem>>
      %dma_start3A_144 = tpu.memref_slice %arg3[%mul3A_2] : memref<7680xi32, #tpu.memory_space<hbm>> -> memref<240xi32, #tpu.memory_space<hbm>>
      %dma_start3A_145 = tpu.memref_slice %arg3[%mul3A_2] : memref<7680xi32, #tpu.memory_space<hbm>> -> memref<240xi32, #tpu.memory_space<hbm>>
      tpu.enqueue_dma source(%dma_start3A_145 : memref<240xi32, #tpu.memory_space<hbm>>) target(%arg6 : memref<240xi32, #tpu.memory_space<vmem>>) target_semaphore(%run_scoped3A : memref<!tpu.dma_semaphore, #tpu.memory_space<semaphore_mem>>)
      %dma_wait3A_146 = tpu.memref_slice %arg3[%mul3A_2] : memref<7680xi32, #tpu.memory_space<hbm>> -> memref<240xi32, #tpu.memory_space<hbm>>
      %dma_wait3A_147 = tpu.memref_slice %arg3[%mul3A_2] : memref<7680xi32, #tpu.memory_space<hbm>> -> memref<240xi32, #tpu.memory_space<hbm>>
      tpu.wait_dma2 semaphore(%run_scoped3A : memref<!tpu.dma_semaphore, #tpu.memory_space<semaphore_mem>>) src(%dma_wait3A_147 : memref<240xi32, #tpu.memory_space<hbm>>) dst(%arg6 : memref<240xi32, #tpu.memory_space<vmem>>)
      tpu.yield
    }) : () -> ()
    %iota3A = tpu.iota {dimensions = array<i32: 0>} : vector<16xi32>
    %add3A_3 = arith.constant 0 : i32
    %add3A_4 = vector.broadcast %add3A_3 : i32 to vector<16xi32>
    %add3A_5 = arith.addi %iota3A, %add3A_4 : vector<16xi32>
    %mul3A_6 = arith.constant 128 : i32
    %mul3A_7 = vector.broadcast %mul3A_6 : i32 to vector<16xi32>
    %mul3A_8 = arith.muli %add3A_5, %mul3A_7 : vector<16xi32>
    %add3A_9 = arith.constant 16 : i32
    %add3A_10 = vector.broadcast %add3A_9 : i32 to vector<16xi32>
    %add3A_11 = arith.addi %iota3A, %add3A_10 : vector<16xi32>
    %mul3A_12 = arith.constant 128 : i32
    %mul3A_13 = vector.broadcast %mul3A_12 : i32 to vector<16xi32>
    %mul3A_14 = arith.muli %add3A_11, %mul3A_13 : vector<16xi32>
    %add3A_15 = arith.constant 32 : i32
    %add3A_16 = vector.broadcast %add3A_15 : i32 to vector<16xi32>
    %add3A_17 = arith.addi %iota3A, %add3A_16 : vector<16xi32>
    %mul3A_18 = arith.constant 128 : i32
    %mul3A_19 = vector.broadcast %mul3A_18 : i32 to vector<16xi32>
    %mul3A_20 = arith.muli %add3A_17, %mul3A_19 : vector<16xi32>
    %add3A_21 = arith.constant 48 : i32
    %add3A_22 = vector.broadcast %add3A_21 : i32 to vector<16xi32>
    %add3A_23 = arith.addi %iota3A, %add3A_22 : vector<16xi32>
    %mul3A_24 = arith.constant 128 : i32
    %mul3A_25 = vector.broadcast %mul3A_24 : i32 to vector<16xi32>
    %mul3A_26 = arith.muli %add3A_23, %mul3A_25 : vector<16xi32>
    %scan3A = arith.constant 0 : i32
    %scan3A_27 = arith.constant 0 : i32
    %scan3A_28 = arith.constant 2 : i32
    %scan3A_29 = arith.addi %scan3A_27, %scan3A_28 : i32
    %scan3A_30 = arith.constant 1 : i32
    scf.for %scan3A_144 = %scan3A_27 to %scan3A_29 step %scan3A_30  : i32 {
      %mul3A_145 = arith.constant 16 : i32
      %mul3A_146 = arith.muli %scan3A_144, %mul3A_145 : i32
      %multiple_of3A = tpu.assume_multiple %mul3A_146, 16 : i32
      %sub3A_147 = arith.constant 0 : i32
      %sub3A_148 = arith.subi %scan3A_144, %sub3A_147 : i32
      %mul3A_149 = arith.constant 16 : i32
      %mul3A_150 = arith.muli %sub3A_148, %mul3A_149 : i32
      %multiple_of3A_151 = tpu.assume_multiple %mul3A_150, 16 : i32
      %get3A = arith.index_cast %multiple_of3A : i32 to index
      %get3A_152 = tpu.vector_load %arg6[%get3A] {strides = array<i32>} : memref<240xi32, #tpu.memory_space<vmem>>, vector<16xi32>,
      %add3A_153 = arith.constant 80 : i32
      %add3A_154 = arith.addi %add3A_153, %multiple_of3A : i32
      %get3A_155 = arith.index_cast %add3A_154 : i32 to index
      %get3A_156 = tpu.vector_load %arg6[%get3A_155] {strides = array<i32>} : memref<240xi32, #tpu.memory_space<vmem>>, vector<16xi32>,
      %add3A_157 = arith.constant 160 : i32
      %add3A_158 = arith.addi %add3A_157, %multiple_of3A : i32
      %get3A_159 = arith.index_cast %add3A_158 : i32 to index
      %get3A_160 = tpu.vector_load %arg6[%get3A_159] {strides = array<i32>} : memref<240xi32, #tpu.memory_space<vmem>>, vector<16xi32>,
      %mul3A_161 = arith.constant 96 : i32
      %mul3A_162 = vector.broadcast %mul3A_161 : i32 to vector<16xi32>
      %mul3A_163 = arith.muli %get3A_156, %mul3A_162 : vector<16xi32>
      %add3A_164 = arith.addi %mul3A_163, %get3A_160 : vector<16xi32>
      %mul3A_165 = arith.constant 8192 : i32
      %mul3A_166 = vector.broadcast %mul3A_165 : i32 to vector<16xi32>
      %mul3A_167 = arith.muli %add3A_164, %mul3A_166 : vector<16xi32>
      %add3A_168 = arith.addi %mul3A_167, %get3A_152 : vector<16xi32>
      %slice3A = vector.extract_strided_slice %add3A_168 {offsets = [0], sizes = [1], strides = [1]} : vector<16xi32> to vector<1xi32>
      %squeeze3A = vector.extract %slice3A[0] : i32 from vector<1xi32>
      %broadcast_in_dim3A = vector.broadcast %squeeze3A : i32 to vector<16xi32>
      %add3A_169 = arith.constant 0 : i32
      %add3A_170 = arith.addi %multiple_of3A_151, %add3A_169 : i32
      %mul3A_171 = arith.constant 64 : i32
      %mul3A_172 = arith.muli %add3A_170, %mul3A_171 : i32
      %add3A_173 = arith.addi %broadcast_in_dim3A, %mul3A_8 : vector<16xi32>
      %add3A_174 = arith.constant 0 : i32
      %add3A_175 = arith.addi %mul3A_172, %add3A_174 : i32
      %swap3A = arith.index_cast %add3A_175 : i32 to index
      %swap3A_176 = tpu.vector_load %arg7[%swap3A] {strides = array<i32>} : memref<2048xi32, #tpu.memory_space<vmem>>, vector<16xi32>,
      tpu.vector_store %arg7[%swap3A], %add3A_173 {strides = array<i32>} : memref<2048xi32, #tpu.memory_space<vmem>>, vector<16xi32>,
      %add3A_177 = arith.addi %broadcast_in_dim3A, %mul3A_14 : vector<16xi32>
      %add3A_178 = arith.constant 16 : i32
      %add3A_179 = arith.addi %mul3A_172, %add3A_178 : i32
      %swap3A_180 = arith.index_cast %add3A_179 : i32 to index
      %swap3A_181 = tpu.vector_load %arg7[%swap3A_180] {strides = array<i32>} : memref<2048xi32, #tpu.memory_space<vmem>>, vector<16xi32>,
      tpu.vector_store %arg7[%swap3A_180], %add3A_177 {strides = array<i32>} : memref<2048xi32, #tpu.memory_space<vmem>>, vector<16xi32>,
      %add3A_182 = arith.addi %broadcast_in_dim3A, %mul3A_20 : vector<16xi32>
      %add3A_183 = arith.constant 32 : i32
      %add3A_184 = arith.addi %mul3A_172, %add3A_183 : i32
      %swap3A_185 = arith.index_cast %add3A_184 : i32 to index
      %swap3A_186 = tpu.vector_load %arg7[%swap3A_185] {strides = array<i32>} : memref<2048xi32, #tpu.memory_space<vmem>>, vector<16xi32>,
      tpu.vector_store %arg7[%swap3A_185], %add3A_182 {strides = array<i32>} : memref<2048xi32, #tpu.memory_space<vmem>>, vector<16xi32>,
      %add3A_187 = arith.addi %broadcast_in_dim3A, %mul3A_26 : vector<16xi32>
      %add3A_188 = arith.constant 48 : i32
      %add3A_189 = arith.addi %mul3A_172, %add3A_188 : i32
      %swap3A_190 = arith.index_cast %add3A_189 : i32 to index
      %swap3A_191 = tpu.vector_load %arg7[%swap3A_190] {strides = array<i32>} : memref<2048xi32, #tpu.memory_space<vmem>>, vector<16xi32>,
      tpu.vector_store %arg7[%swap3A_190], %add3A_187 {strides = array<i32>} : memref<2048xi32, #tpu.memory_space<vmem>>, vector<16xi32>,
      %slice3A_192 = vector.extract_strided_slice %add3A_168 {offsets = [1], sizes = [1], strides = [1]} : vector<16xi32> to vector<1xi32>
      %squeeze3A_193 = vector.extract %slice3A_192[0] : i32 from vector<1xi32>
      %broadcast_in_dim3A_194 = vector.broadcast %squeeze3A_193 : i32 to vector<16xi32>
      %add3A_195 = arith.constant 1 : i32
      %add3A_196 = arith.addi %multiple_of3A_151, %add3A_195 : i32
      %mul3A_197 = arith.constant 64 : i32
      %mul3A_198 = arith.muli %add3A_196, %mul3A_197 : i32
      %add3A_199 = arith.addi %broadcast_in_dim3A_194, %mul3A_8 : vector<16xi32>
      %add3A_200 = arith.constant 0 : i32
      %add3A_201 = arith.addi %mul3A_198, %add3A_200 : i32
      %swap3A_202 = arith.index_cast %add3A_201 : i32 to index
      %swap3A_203 = tpu.vector_load %arg7[%swap3A_202] {strides = array<i32>} : memref<2048xi32, #tpu.memory_space<vmem>>, vector<16xi32>,
      tpu.vector_store %arg7[%swap3A_202], %add3A_199 {strides = array<i32>} : memref<2048xi32, #tpu.memory_space<vmem>>, vector<16xi32>,
      %add3A_204 = arith.addi %broadcast_in_dim3A_194, %mul3A_14 : vector<16xi32>
      %add3A_205 = arith.constant 16 : i32
      %add3A_206 = arith.addi %mul3A_198, %add3A_205 : i32
      %swap3A_207 = arith.index_cast %add3A_206 : i32 to index
      %swap3A_208 = tpu.vector_load %arg7[%swap3A_207] {strides = array<i32>} : memref<2048xi32, #tpu.memory_space<vmem>>, vector<16xi32>,
      tpu.vector_store %arg7[%swap3A_207], %add3A_204 {strides = array<i32>} : memref<2048xi32, #tpu.memory_space<vmem>>, vector<16xi32>,
      %add3A_209 = arith.addi %broadcast_in_dim3A_194, %mul3A_20 : vector<16xi32>
      %add3A_210 = arith.constant 32 : i32
      %add3A_211 = arith.addi %mul3A_198, %add3A_210 : i32
      %swap3A_212 = arith.index_cast %add3A_211 : i32 to index
      %swap3A_213 = tpu.vector_load %arg7[%swap3A_212] {strides = array<i32>} : memref<2048xi32, #tpu.memory_space<vmem>>, vector<16xi32>,
      tpu.vector_store %arg7[%swap3A_212], %add3A_209 {strides = array<i32>} : memref<2048xi32, #tpu.memory_space<vmem>>, vector<16xi32>,
      %add3A_214 = arith.addi %broadcast_in_dim3A_194, %mul3A_26 : vector<16xi32>
      %add3A_215 = arith.constant 48 : i32
      %add3A_216 = arith.addi %mul3A_198, %add3A_215 : i32
      %swap3A_217 = arith.index_cast %add3A_216 : i32 to index
      %swap3A_218 = tpu.vector_load %arg7[%swap3A_217] {strides = array<i32>} : memref<2048xi32, #tpu.memory_space<vmem>>, vector<16xi32>,
      tpu.vector_store %arg7[%swap3A_217], %add3A_214 {strides = array<i32>} : memref<2048xi32, #tpu.memory_space<vmem>>, vector<16xi32>,
      %slice3A_219 = vector.extract_strided_slice %add3A_168 {offsets = [2], sizes = [1], strides = [1]} : vector<16xi32> to vector<1xi32>
      %squeeze3A_220 = vector.extract %slice3A_219[0] : i32 from vector<1xi32>
      %broadcast_in_dim3A_221 = vector.broadcast %squeeze3A_220 : i32 to vector<16xi32>
      %add3A_222 = arith.constant 2 : i32
      %add3A_223 = arith.addi %multiple_of3A_151, %add3A_222 : i32
      %mul3A_224 = arith.constant 64 : i32
      %mul3A_225 = arith.muli %add3A_223, %mul3A_224 : i32
      %add3A_226 = arith.addi %broadcast_in_dim3A_221, %mul3A_8 : vector<16xi32>
      %add3A_227 = arith.constant 0 : i32
      %add3A_228 = arith.addi %mul3A_225, %add3A_227 : i32
      %swap3A_229 = arith.index_cast %add3A_228 : i32 to index
      %swap3A_230 = tpu.vector_load %arg7[%swap3A_229] {strides = array<i32>} : memref<2048xi32, #tpu.memory_space<vmem>>, vector<16xi32>,
      tpu.vector_store %arg7[%swap3A_229], %add3A_226 {strides = array<i32>} : memref<2048xi32, #tpu.memory_space<vmem>>, vector<16xi32>,
      %add3A_231 = arith.addi %broadcast_in_dim3A_221, %mul3A_14 : vector<16xi32>
      %add3A_232 = arith.constant 16 : i32
      %add3A_233 = arith.addi %mul3A_225, %add3A_232 : i32
      %swap3A_234 = arith.index_cast %add3A_233 : i32 to index
      %swap3A_235 = tpu.vector_load %arg7[%swap3A_234] {strides = array<i32>} : memref<2048xi32, #tpu.memory_space<vmem>>, vector<16xi32>,
      tpu.vector_store %arg7[%swap3A_234], %add3A_231 {strides = array<i32>} : memref<2048xi32, #tpu.memory_space<vmem>>, vector<16xi32>,
      %add3A_236 = arith.addi %broadcast_in_dim3A_221, %mul3A_20 : vector<16xi32>
      %add3A_237 = arith.constant 32 : i32
      %add3A_238 = arith.addi %mul3A_225, %add3A_237 : i32
      %swap3A_239 = arith.index_cast %add3A_238 : i32 to index
      %swap3A_240 = tpu.vector_load %arg7[%swap3A_239] {strides = array<i32>} : memref<2048xi32, #tpu.memory_space<vmem>>, vector<16xi32>,
      tpu.vector_store %arg7[%swap3A_239], %add3A_236 {strides = array<i32>} : memref<2048xi32, #tpu.memory_space<vmem>>, vector<16xi32>,
      %add3A_241 = arith.addi %broadcast_in_dim3A_221, %mul3A_26 : vector<16xi32>
      %add3A_242 = arith.constant 48 : i32
      %add3A_243 = arith.addi %mul3A_225, %add3A_242 : i32
      %swap3A_244 = arith.index_cast %add3A_243 : i32 to index
      %swap3A_245 = tpu.vector_load %arg7[%swap3A_244] {strides = array<i32>} : memref<2048xi32, #tpu.memory_space<vmem>>, vector<16xi32>,
      tpu.vector_store %arg7[%swap3A_244], %add3A_241 {strides = array<i32>} : memref<2048xi32, #tpu.memory_space<vmem>>, vector<16xi32>,
      %slice3A_246 = vector.extract_strided_slice %add3A_168 {offsets = [3], sizes = [1], strides = [1]} : vector<16xi32> to vector<1xi32>
      %squeeze3A_247 = vector.extract %slice3A_246[0] : i32 from vector<1xi32>
      %broadcast_in_dim3A_248 = vector.broadcast %squeeze3A_247 : i32 to vector<16xi32>
      %add3A_249 = arith.constant 3 : i32
      %add3A_250 = arith.addi %multiple_of3A_151, %add3A_249 : i32
      %mul3A_251 = arith.constant 64 : i32
      %mul3A_252 = arith.muli %add3A_250, %mul3A_251 : i32
      %add3A_253 = arith.addi %broadcast_in_dim3A_248, %mul3A_8 : vector<16xi32>
      %add3A_254 = arith.constant 0 : i32
      %add3A_255 = arith.addi %mul3A_252, %add3A_254 : i32
      %swap3A_256 = arith.index_cast %add3A_255 : i32 to index
      %swap3A_257 = tpu.vector_load %arg7[%swap3A_256] {strides = array<i32>} : memref<2048xi32, #tpu.memory_space<vmem>>, vector<16xi32>,
      tpu.vector_store %arg7[%swap3A_256], %add3A_253 {strides = array<i32>} : memref<2048xi32, #tpu.memory_space<vmem>>, vector<16xi32>,
      %add3A_258 = arith.addi %broadcast_in_dim3A_248, %mul3A_14 : vector<16xi32>
      %add3A_259 = arith.constant 16 : i32
      %add3A_260 = arith.addi %mul3A_252, %add3A_259 : i32
      %swap3A_261 = arith.index_cast %add3A_260 : i32 to index
      %swap3A_262 = tpu.vector_load %arg7[%swap3A_261] {strides = array<i32>} : memref<2048xi32, #tpu.memory_space<vmem>>, vector<16xi32>,
      tpu.vector_store %arg7[%swap3A_261], %add3A_258 {strides = array<i32>} : memref<2048xi32, #tpu.memory_space<vmem>>, vector<16xi32>,
      %add3A_263 = arith.addi %broadcast_in_dim3A_248, %mul3A_20 : vector<16xi32>
      %add3A_264 = arith.constant 32 : i32
      %add3A_265 = arith.addi %mul3A_252, %add3A_264 : i32
      %swap3A_266 = arith.index_cast %add3A_265 : i32 to index
      %swap3A_267 = tpu.vector_load %arg7[%swap3A_266] {strides = array<i32>} : memref<2048xi32, #tpu.memory_space<vmem>>, vector<16xi32>,
      tpu.vector_store %arg7[%swap3A_266], %add3A_263 {strides = array<i32>} : memref<2048xi32, #tpu.memory_space<vmem>>, vector<16xi32>,
      %add3A_268 = arith.addi %broadcast_in_dim3A_248, %mul3A_26 : vector<16xi32>
      %add3A_269 = arith.constant 48 : i32
      %add3A_270 = arith.addi %mul3A_252, %add3A_269 : i32
      %swap3A_271 = arith.index_cast %add3A_270 : i32 to index
      %swap3A_272 = tpu.vector_load %arg7[%swap3A_271] {strides = array<i32>} : memref<2048xi32, #tpu.memory_space<vmem>>, vector<16xi32>,
      tpu.vector_store %arg7[%swap3A_271], %add3A_268 {strides = array<i32>} : memref<2048xi32, #tpu.memory_space<vmem>>, vector<16xi32>,
      %slice3A_273 = vector.extract_strided_slice %add3A_168 {offsets = [4], sizes = [1], strides = [1]} : vector<16xi32> to vector<1xi32>
      %squeeze3A_274 = vector.extract %slice3A_273[0] : i32 from vector<1xi32>
      %broadcast_in_dim3A_275 = vector.broadcast %squeeze3A_274 : i32 to vector<16xi32>
      %add3A_276 = arith.constant 4 : i32
      %add3A_277 = arith.addi %multiple_of3A_151, %add3A_276 : i32
      %mul3A_278 = arith.constant 64 : i32
      %mul3A_279 = arith.muli %add3A_277, %mul3A_278 : i32
      %add3A_280 = arith.addi %broadcast_in_dim3A_275, %mul3A_8 : vector<16xi32>
      %add3A_281 = arith.constant 0 : i32
      %add3A_282 = arith.addi %mul3A_279, %add3A_281 : i32
      %swap3A_283 = arith.index_cast %add3A_282 : i32 to index
      %swap3A_284 = tpu.vector_load %arg7[%swap3A_283] {strides = array<i32>} : memref<2048xi32, #tpu.memory_space<vmem>>, vector<16xi32>,
      tpu.vector_store %arg7[%swap3A_283], %add3A_280 {strides = array<i32>} : memref<2048xi32, #tpu.memory_space<vmem>>, vector<16xi32>,
      %add3A_285 = arith.addi %broadcast_in_dim3A_275, %mul3A_14 : vector<16xi32>
      %add3A_286 = arith.constant 16 : i32
      %add3A_287 = arith.addi %mul3A_279, %add3A_286 : i32
      %swap3A_288 = arith.index_cast %add3A_287 : i32 to index
      %swap3A_289 = tpu.vector_load %arg7[%swap3A_288] {strides = array<i32>} : memref<2048xi32, #tpu.memory_space<vmem>>, vector<16xi32>,
      tpu.vector_store %arg7[%swap3A_288], %add3A_285 {strides = array<i32>} : memref<2048xi32, #tpu.memory_space<vmem>>, vector<16xi32>,
      %add3A_290 = arith.addi %broadcast_in_dim3A_275, %mul3A_20 : vector<16xi32>
      %add3A_291 = arith.constant 32 : i32
      %add3A_292 = arith.addi %mul3A_279, %add3A_291 : i32
      %swap3A_293 = arith.index_cast %add3A_292 : i32 to index
      %swap3A_294 = tpu.vector_load %arg7[%swap3A_293] {strides = array<i32>} : memref<2048xi32, #tpu.memory_space<vmem>>, vector<16xi32>,
      tpu.vector_store %arg7[%swap3A_293], %add3A_290 {strides = array<i32>} : memref<2048xi32, #tpu.memory_space<vmem>>, vector<16xi32>,
      %add3A_295 = arith.addi %broadcast_in_dim3A_275, %mul3A_26 : vector<16xi32>
      %add3A_296 = arith.constant 48 : i32
      %add3A_297 = arith.addi %mul3A_279, %add3A_296 : i32
      %swap3A_298 = arith.index_cast %add3A_297 : i32 to index
      %swap3A_299 = tpu.vector_load %arg7[%swap3A_298] {strides = array<i32>} : memref<2048xi32, #tpu.memory_space<vmem>>, vector<16xi32>,
      tpu.vector_store %arg7[%swap3A_298], %add3A_295 {strides = array<i32>} : memref<2048xi32, #tpu.memory_space<vmem>>, vector<16xi32>,
      %slice3A_300 = vector.extract_strided_slice %add3A_168 {offsets = [5], sizes = [1], strides = [1]} : vector<16xi32> to vector<1xi32>
      %squeeze3A_301 = vector.extract %slice3A_300[0] : i32 from vector<1xi32>
      %broadcast_in_dim3A_302 = vector.broadcast %squeeze3A_301 : i32 to vector<16xi32>
      %add3A_303 = arith.constant 5 : i32
      %add3A_304 = arith.addi %multiple_of3A_151, %add3A_303 : i32
      %mul3A_305 = arith.constant 64 : i32
      %mul3A_306 = arith.muli %add3A_304, %mul3A_305 : i32
      %add3A_307 = arith.addi %broadcast_in_dim3A_302, %mul3A_8 : vector<16xi32>
      %add3A_308 = arith.constant 0 : i32
      %add3A_309 = arith.addi %mul3A_306, %add3A_308 : i32
      %swap3A_310 = arith.index_cast %add3A_309 : i32 to index
      %swap3A_311 = tpu.vector_load %arg7[%swap3A_310] {strides = array<i32>} : memref<2048xi32, #tpu.memory_space<vmem>>, vector<16xi32>,
      tpu.vector_store %arg7[%swap3A_310], %add3A_307 {strides = array<i32>} : memref<2048xi32, #tpu.memory_space<vmem>>, vector<16xi32>,
      %add3A_312 = arith.addi %broadcast_in_dim3A_302, %mul3A_14 : vector<16xi32>
      %add3A_313 = arith.constant 16 : i32
      %add3A_314 = arith.addi %mul3A_306, %add3A_313 : i32
      %swap3A_315 = arith.index_cast %add3A_314 : i32 to index
      %swap3A_316 = tpu.vector_load %arg7[%swap3A_315] {strides = array<i32>} : memref<2048xi32, #tpu.memory_space<vmem>>, vector<16xi32>,
      tpu.vector_store %arg7[%swap3A_315], %add3A_312 {strides = array<i32>} : memref<2048xi32, #tpu.memory_space<vmem>>, vector<16xi32>,
      %add3A_317 = arith.addi %broadcast_in_dim3A_302, %mul3A_20 : vector<16xi32>
      %add3A_318 = arith.constant 32 : i32
      %add3A_319 = arith.addi %mul3A_306, %add3A_318 : i32
      %swap3A_320 = arith.index_cast %add3A_319 : i32 to index
      %swap3A_321 = tpu.vector_load %arg7[%swap3A_320] {strides = array<i32>} : memref<2048xi32, #tpu.memory_space<vmem>>, vector<16xi32>,
      tpu.vector_store %arg7[%swap3A_320], %add3A_317 {strides = array<i32>} : memref<2048xi32, #tpu.memory_space<vmem>>, vector<16xi32>,
      %add3A_322 = arith.addi %broadcast_in_dim3A_302, %mul3A_26 : vector<16xi32>
      %add3A_323 = arith.constant 48 : i32
      %add3A_324 = arith.addi %mul3A_306, %add3A_323 : i32
      %swap3A_325 = arith.index_cast %add3A_324 : i32 to index
      %swap3A_326 = tpu.vector_load %arg7[%swap3A_325] {strides = array<i32>} : memref<2048xi32, #tpu.memory_space<vmem>>, vector<16xi32>,
      tpu.vector_store %arg7[%swap3A_325], %add3A_322 {strides = array<i32>} : memref<2048xi32, #tpu.memory_space<vmem>>, vector<16xi32>,
      %slice3A_327 = vector.extract_strided_slice %add3A_168 {offsets = [6], sizes = [1], strides = [1]} : vector<16xi32> to vector<1xi32>
      %squeeze3A_328 = vector.extract %slice3A_327[0] : i32 from vector<1xi32>
      %broadcast_in_dim3A_329 = vector.broadcast %squeeze3A_328 : i32 to vector<16xi32>
      %add3A_330 = arith.constant 6 : i32
      %add3A_331 = arith.addi %multiple_of3A_151, %add3A_330 : i32
      %mul3A_332 = arith.constant 64 : i32
      %mul3A_333 = arith.muli %add3A_331, %mul3A_332 : i32
      %add3A_334 = arith.addi %broadcast_in_dim3A_329, %mul3A_8 : vector<16xi32>
      %add3A_335 = arith.constant 0 : i32
      %add3A_336 = arith.addi %mul3A_333, %add3A_335 : i32
      %swap3A_337 = arith.index_cast %add3A_336 : i32 to index
      %swap3A_338 = tpu.vector_load %arg7[%swap3A_337] {strides = array<i32>} : memref<2048xi32, #tpu.memory_space<vmem>>, vector<16xi32>,
      tpu.vector_store %arg7[%swap3A_337], %add3A_334 {strides = array<i32>} : memref<2048xi32, #tpu.memory_space<vmem>>, vector<16xi32>,
      %add3A_339 = arith.addi %broadcast_in_dim3A_329, %mul3A_14 : vector<16xi32>
      %add3A_340 = arith.constant 16 : i32
      %add3A_341 = arith.addi %mul3A_333, %add3A_340 : i32
      %swap3A_342 = arith.index_cast %add3A_341 : i32 to index
      %swap3A_343 = tpu.vector_load %arg7[%swap3A_342] {strides = array<i32>} : memref<2048xi32, #tpu.memory_space<vmem>>, vector<16xi32>,
      tpu.vector_store %arg7[%swap3A_342], %add3A_339 {strides = array<i32>} : memref<2048xi32, #tpu.memory_space<vmem>>, vector<16xi32>,
      %add3A_344 = arith.addi %broadcast_in_dim3A_329, %mul3A_20 : vector<16xi32>
      %add3A_345 = arith.constant 32 : i32
      %add3A_346 = arith.addi %mul3A_333, %add3A_345 : i32
      %swap3A_347 = arith.index_cast %add3A_346 : i32 to index
      %swap3A_348 = tpu.vector_load %arg7[%swap3A_347] {strides = array<i32>} : memref<2048xi32, #tpu.memory_space<vmem>>, vector<16xi32>,
      tpu.vector_store %arg7[%swap3A_347], %add3A_344 {strides = array<i32>} : memref<2048xi32, #tpu.memory_space<vmem>>, vector<16xi32>,
      %add3A_349 = arith.addi %broadcast_in_dim3A_329, %mul3A_26 : vector<16xi32>
      %add3A_350 = arith.constant 48 : i32
      %add3A_351 = arith.addi %mul3A_333, %add3A_350 : i32
      %swap3A_352 = arith.index_cast %add3A_351 : i32 to index
      %swap3A_353 = tpu.vector_load %arg7[%swap3A_352] {strides = array<i32>} : memref<2048xi32, #tpu.memory_space<vmem>>, vector<16xi32>,
      tpu.vector_store %arg7[%swap3A_352], %add3A_349 {strides = array<i32>} : memref<2048xi32, #tpu.memory_space<vmem>>, vector<16xi32>,
      %slice3A_354 = vector.extract_strided_slice %add3A_168 {offsets = [7], sizes = [1], strides = [1]} : vector<16xi32> to vector<1xi32>
      %squeeze3A_355 = vector.extract %slice3A_354[0] : i32 from vector<1xi32>
      %broadcast_in_dim3A_356 = vector.broadcast %squeeze3A_355 : i32 to vector<16xi32>
      %add3A_357 = arith.constant 7 : i32
      %add3A_358 = arith.addi %multiple_of3A_151, %add3A_357 : i32
      %mul3A_359 = arith.constant 64 : i32
      %mul3A_360 = arith.muli %add3A_358, %mul3A_359 : i32
      %add3A_361 = arith.addi %broadcast_in_dim3A_356, %mul3A_8 : vector<16xi32>
      %add3A_362 = arith.constant 0 : i32
      %add3A_363 = arith.addi %mul3A_360, %add3A_362 : i32
      %swap3A_364 = arith.index_cast %add3A_363 : i32 to index
      %swap3A_365 = tpu.vector_load %arg7[%swap3A_364] {strides = array<i32>} : memref<2048xi32, #tpu.memory_space<vmem>>, vector<16xi32>,
      tpu.vector_store %arg7[%swap3A_364], %add3A_361 {strides = array<i32>} : memref<2048xi32, #tpu.memory_space<vmem>>, vector<16xi32>,
      %add3A_366 = arith.addi %broadcast_in_dim3A_356, %mul3A_14 : vector<16xi32>
      %add3A_367 = arith.constant 16 : i32
      %add3A_368 = arith.addi %mul3A_360, %add3A_367 : i32
      %swap3A_369 = arith.index_cast %add3A_368 : i32 to index
      %swap3A_370 = tpu.vector_load %arg7[%swap3A_369] {strides = array<i32>} : memref<2048xi32, #tpu.memory_space<vmem>>, vector<16xi32>,
      tpu.vector_store %arg7[%swap3A_369], %add3A_366 {strides = array<i32>} : memref<2048xi32, #tpu.memory_space<vmem>>, vector<16xi32>,
      %add3A_371 = arith.addi %broadcast_in_dim3A_356, %mul3A_20 : vector<16xi32>
      %add3A_372 = arith.constant 32 : i32
      %add3A_373 = arith.addi %mul3A_360, %add3A_372 : i32
      %swap3A_374 = arith.index_cast %add3A_373 : i32 to index
      %swap3A_375 = tpu.vector_load %arg7[%swap3A_374] {strides = array<i32>} : memref<2048xi32, #tpu.memory_space<vmem>>, vector<16xi32>,
      tpu.vector_store %arg7[%swap3A_374], %add3A_371 {strides = array<i32>} : memref<2048xi32, #tpu.memory_space<vmem>>, vector<16xi32>,
      %add3A_376 = arith.addi %broadcast_in_dim3A_356, %mul3A_26 : vector<16xi32>
      %add3A_377 = arith.constant 48 : i32
      %add3A_378 = arith.addi %mul3A_360, %add3A_377 : i32
      %swap3A_379 = arith.index_cast %add3A_378 : i32 to index
      %swap3A_380 = tpu.vector_load %arg7[%swap3A_379] {strides = array<i32>} : memref<2048xi32, #tpu.memory_space<vmem>>, vector<16xi32>,
      tpu.vector_store %arg7[%swap3A_379], %add3A_376 {strides = array<i32>} : memref<2048xi32, #tpu.memory_space<vmem>>, vector<16xi32>,
      %slice3A_381 = vector.extract_strided_slice %add3A_168 {offsets = [8], sizes = [1], strides = [1]} : vector<16xi32> to vector<1xi32>
      %squeeze3A_382 = vector.extract %slice3A_381[0] : i32 from vector<1xi32>
      %broadcast_in_dim3A_383 = vector.broadcast %squeeze3A_382 : i32 to vector<16xi32>
      %add3A_384 = arith.constant 8 : i32
      %add3A_385 = arith.addi %multiple_of3A_151, %add3A_384 : i32
      %mul3A_386 = arith.constant 64 : i32
      %mul3A_387 = arith.muli %add3A_385, %mul3A_386 : i32
      %add3A_388 = arith.addi %broadcast_in_dim3A_383, %mul3A_8 : vector<16xi32>
      %add3A_389 = arith.constant 0 : i32
      %add3A_390 = arith.addi %mul3A_387, %add3A_389 : i32
      %swap3A_391 = arith.index_cast %add3A_390 : i32 to index
      %swap3A_392 = tpu.vector_load %arg7[%swap3A_391] {strides = array<i32>} : memref<2048xi32, #tpu.memory_space<vmem>>, vector<16xi32>,
      tpu.vector_store %arg7[%swap3A_391], %add3A_388 {strides = array<i32>} : memref<2048xi32, #tpu.memory_space<vmem>>, vector<16xi32>,
      %add3A_393 = arith.addi %broadcast_in_dim3A_383, %mul3A_14 : vector<16xi32>
      %add3A_394 = arith.constant 16 : i32
      %add3A_395 = arith.addi %mul3A_387, %add3A_394 : i32
      %swap3A_396 = arith.index_cast %add3A_395 : i32 to index
      %swap3A_397 = tpu.vector_load %arg7[%swap3A_396] {strides = array<i32>} : memref<2048xi32, #tpu.memory_space<vmem>>, vector<16xi32>,
      tpu.vector_store %arg7[%swap3A_396], %add3A_393 {strides = array<i32>} : memref<2048xi32, #tpu.memory_space<vmem>>, vector<16xi32>,
      %add3A_398 = arith.addi %broadcast_in_dim3A_383, %mul3A_20 : vector<16xi32>
      %add3A_399 = arith.constant 32 : i32
      %add3A_400 = arith.addi %mul3A_387, %add3A_399 : i32
      %swap3A_401 = arith.index_cast %add3A_400 : i32 to index
      %swap3A_402 = tpu.vector_load %arg7[%swap3A_401] {strides = array<i32>} : memref<2048xi32, #tpu.memory_space<vmem>>, vector<16xi32>,
      tpu.vector_store %arg7[%swap3A_401], %add3A_398 {strides = array<i32>} : memref<2048xi32, #tpu.memory_space<vmem>>, vector<16xi32>,
      %add3A_403 = arith.addi %broadcast_in_dim3A_383, %mul3A_26 : vector<16xi32>
      %add3A_404 = arith.constant 48 : i32
      %add3A_405 = arith.addi %mul3A_387, %add3A_404 : i32
      %swap3A_406 = arith.index_cast %add3A_405 : i32 to index
      %swap3A_407 = tpu.vector_load %arg7[%swap3A_406] {strides = array<i32>} : memref<2048xi32, #tpu.memory_space<vmem>>, vector<16xi32>,
      tpu.vector_store %arg7[%swap3A_406], %add3A_403 {strides = array<i32>} : memref<2048xi32, #tpu.memory_space<vmem>>, vector<16xi32>,
      %slice3A_408 = vector.extract_strided_slice %add3A_168 {offsets = [9], sizes = [1], strides = [1]} : vector<16xi32> to vector<1xi32>
      %squeeze3A_409 = vector.extract %slice3A_408[0] : i32 from vector<1xi32>
      %broadcast_in_dim3A_410 = vector.broadcast %squeeze3A_409 : i32 to vector<16xi32>
      %add3A_411 = arith.constant 9 : i32
      %add3A_412 = arith.addi %multiple_of3A_151, %add3A_411 : i32
      %mul3A_413 = arith.constant 64 : i32
      %mul3A_414 = arith.muli %add3A_412, %mul3A_413 : i32
      %add3A_415 = arith.addi %broadcast_in_dim3A_410, %mul3A_8 : vector<16xi32>
      %add3A_416 = arith.constant 0 : i32
      %add3A_417 = arith.addi %mul3A_414, %add3A_416 : i32
      %swap3A_418 = arith.index_cast %add3A_417 : i32 to index
      %swap3A_419 = tpu.vector_load %arg7[%swap3A_418] {strides = array<i32>} : memref<2048xi32, #tpu.memory_space<vmem>>, vector<16xi32>,
      tpu.vector_store %arg7[%swap3A_418], %add3A_415 {strides = array<i32>} : memref<2048xi32, #tpu.memory_space<vmem>>, vector<16xi32>,
      %add3A_420 = arith.addi %broadcast_in_dim3A_410, %mul3A_14 : vector<16xi32>
      %add3A_421 = arith.constant 16 : i32
      %add3A_422 = arith.addi %mul3A_414, %add3A_421 : i32
      %swap3A_423 = arith.index_cast %add3A_422 : i32 to index
      %swap3A_424 = tpu.vector_load %arg7[%swap3A_423] {strides = array<i32>} : memref<2048xi32, #tpu.memory_space<vmem>>, vector<16xi32>,
      tpu.vector_store %arg7[%swap3A_423], %add3A_420 {strides = array<i32>} : memref<2048xi32, #tpu.memory_space<vmem>>, vector<16xi32>,
      %add3A_425 = arith.addi %broadcast_in_dim3A_410, %mul3A_20 : vector<16xi32>
      %add3A_426 = arith.constant 32 : i32
      %add3A_427 = arith.addi %mul3A_414, %add3A_426 : i32
      %swap3A_428 = arith.index_cast %add3A_427 : i32 to index
      %swap3A_429 = tpu.vector_load %arg7[%swap3A_428] {strides = array<i32>} : memref<2048xi32, #tpu.memory_space<vmem>>, vector<16xi32>,
      tpu.vector_store %arg7[%swap3A_428], %add3A_425 {strides = array<i32>} : memref<2048xi32, #tpu.memory_space<vmem>>, vector<16xi32>,
      %add3A_430 = arith.addi %broadcast_in_dim3A_410, %mul3A_26 : vector<16xi32>
      %add3A_431 = arith.constant 48 : i32
      %add3A_432 = arith.addi %mul3A_414, %add3A_431 : i32
      %swap3A_433 = arith.index_cast %add3A_432 : i32 to index
      %swap3A_434 = tpu.vector_load %arg7[%swap3A_433] {strides = array<i32>} : memref<2048xi32, #tpu.memory_space<vmem>>, vector<16xi32>,
      tpu.vector_store %arg7[%swap3A_433], %add3A_430 {strides = array<i32>} : memref<2048xi32, #tpu.memory_space<vmem>>, vector<16xi32>,
      %slice3A_435 = vector.extract_strided_slice %add3A_168 {offsets = [10], sizes = [1], strides = [1]} : vector<16xi32> to vector<1xi32>
      %squeeze3A_436 = vector.extract %slice3A_435[0] : i32 from vector<1xi32>
      %broadcast_in_dim3A_437 = vector.broadcast %squeeze3A_436 : i32 to vector<16xi32>
      %add3A_438 = arith.constant 10 : i32
      %add3A_439 = arith.addi %multiple_of3A_151, %add3A_438 : i32
      %mul3A_440 = arith.constant 64 : i32
      %mul3A_441 = arith.muli %add3A_439, %mul3A_440 : i32
      %add3A_442 = arith.addi %broadcast_in_dim3A_437, %mul3A_8 : vector<16xi32>
      %add3A_443 = arith.constant 0 : i32
      %add3A_444 = arith.addi %mul3A_441, %add3A_443 : i32
      %swap3A_445 = arith.index_cast %add3A_444 : i32 to index
      %swap3A_446 = tpu.vector_load %arg7[%swap3A_445] {strides = array<i32>} : memref<2048xi32, #tpu.memory_space<vmem>>, vector<16xi32>,
      tpu.vector_store %arg7[%swap3A_445], %add3A_442 {strides = array<i32>} : memref<2048xi32, #tpu.memory_space<vmem>>, vector<16xi32>,
      %add3A_447 = arith.addi %broadcast_in_dim3A_437, %mul3A_14 : vector<16xi32>
      %add3A_448 = arith.constant 16 : i32
      %add3A_449 = arith.addi %mul3A_441, %add3A_448 : i32
      %swap3A_450 = arith.index_cast %add3A_449 : i32 to index
      %swap3A_451 = tpu.vector_load %arg7[%swap3A_450] {strides = array<i32>} : memref<2048xi32, #tpu.memory_space<vmem>>, vector<16xi32>,
      tpu.vector_store %arg7[%swap3A_450], %add3A_447 {strides = array<i32>} : memref<2048xi32, #tpu.memory_space<vmem>>, vector<16xi32>,
      %add3A_452 = arith.addi %broadcast_in_dim3A_437, %mul3A_20 : vector<16xi32>
      %add3A_453 = arith.constant 32 : i32
      %add3A_454 = arith.addi %mul3A_441, %add3A_453 : i32
      %swap3A_455 = arith.index_cast %add3A_454 : i32 to index
      %swap3A_456 = tpu.vector_load %arg7[%swap3A_455] {strides = array<i32>} : memref<2048xi32, #tpu.memory_space<vmem>>, vector<16xi32>,
      tpu.vector_store %arg7[%swap3A_455], %add3A_452 {strides = array<i32>} : memref<2048xi32, #tpu.memory_space<vmem>>, vector<16xi32>,
      %add3A_457 = arith.addi %broadcast_in_dim3A_437, %mul3A_26 : vector<16xi32>
      %add3A_458 = arith.constant 48 : i32
      %add3A_459 = arith.addi %mul3A_441, %add3A_458 : i32
      %swap3A_460 = arith.index_cast %add3A_459 : i32 to index
      %swap3A_461 = tpu.vector_load %arg7[%swap3A_460] {strides = array<i32>} : memref<2048xi32, #tpu.memory_space<vmem>>, vector<16xi32>,
      tpu.vector_store %arg7[%swap3A_460], %add3A_457 {strides = array<i32>} : memref<2048xi32, #tpu.memory_space<vmem>>, vector<16xi32>,
      %slice3A_462 = vector.extract_strided_slice %add3A_168 {offsets = [11], sizes = [1], strides = [1]} : vector<16xi32> to vector<1xi32>
      %squeeze3A_463 = vector.extract %slice3A_462[0] : i32 from vector<1xi32>
      %broadcast_in_dim3A_464 = vector.broadcast %squeeze3A_463 : i32 to vector<16xi32>
      %add3A_465 = arith.constant 11 : i32
      %add3A_466 = arith.addi %multiple_of3A_151, %add3A_465 : i32
      %mul3A_467 = arith.constant 64 : i32
      %mul3A_468 = arith.muli %add3A_466, %mul3A_467 : i32
      %add3A_469 = arith.addi %broadcast_in_dim3A_464, %mul3A_8 : vector<16xi32>
      %add3A_470 = arith.constant 0 : i32
      %add3A_471 = arith.addi %mul3A_468, %add3A_470 : i32
      %swap3A_472 = arith.index_cast %add3A_471 : i32 to index
      %swap3A_473 = tpu.vector_load %arg7[%swap3A_472] {strides = array<i32>} : memref<2048xi32, #tpu.memory_space<vmem>>, vector<16xi32>,
      tpu.vector_store %arg7[%swap3A_472], %add3A_469 {strides = array<i32>} : memref<2048xi32, #tpu.memory_space<vmem>>, vector<16xi32>,
      %add3A_474 = arith.addi %broadcast_in_dim3A_464, %mul3A_14 : vector<16xi32>
      %add3A_475 = arith.constant 16 : i32
      %add3A_476 = arith.addi %mul3A_468, %add3A_475 : i32
      %swap3A_477 = arith.index_cast %add3A_476 : i32 to index
      %swap3A_478 = tpu.vector_load %arg7[%swap3A_477] {strides = array<i32>} : memref<2048xi32, #tpu.memory_space<vmem>>, vector<16xi32>,
      tpu.vector_store %arg7[%swap3A_477], %add3A_474 {strides = array<i32>} : memref<2048xi32, #tpu.memory_space<vmem>>, vector<16xi32>,
      %add3A_479 = arith.addi %broadcast_in_dim3A_464, %mul3A_20 : vector<16xi32>
      %add3A_480 = arith.constant 32 : i32
      %add3A_481 = arith.addi %mul3A_468, %add3A_480 : i32
      %swap3A_482 = arith.index_cast %add3A_481 : i32 to index
      %swap3A_483 = tpu.vector_load %arg7[%swap3A_482] {strides = array<i32>} : memref<2048xi32, #tpu.memory_space<vmem>>, vector<16xi32>,
      tpu.vector_store %arg7[%swap3A_482], %add3A_479 {strides = array<i32>} : memref<2048xi32, #tpu.memory_space<vmem>>, vector<16xi32>,
      %add3A_484 = arith.addi %broadcast_in_dim3A_464, %mul3A_26 : vector<16xi32>
      %add3A_485 = arith.constant 48 : i32
      %add3A_486 = arith.addi %mul3A_468, %add3A_485 : i32
      %swap3A_487 = arith.index_cast %add3A_486 : i32 to index
      %swap3A_488 = tpu.vector_load %arg7[%swap3A_487] {strides = array<i32>} : memref<2048xi32, #tpu.memory_space<vmem>>, vector<16xi32>,
      tpu.vector_store %arg7[%swap3A_487], %add3A_484 {strides = array<i32>} : memref<2048xi32, #tpu.memory_space<vmem>>, vector<16xi32>,
      %slice3A_489 = vector.extract_strided_slice %add3A_168 {offsets = [12], sizes = [1], strides = [1]} : vector<16xi32> to vector<1xi32>
      %squeeze3A_490 = vector.extract %slice3A_489[0] : i32 from vector<1xi32>
      %broadcast_in_dim3A_491 = vector.broadcast %squeeze3A_490 : i32 to vector<16xi32>
      %add3A_492 = arith.constant 12 : i32
      %add3A_493 = arith.addi %multiple_of3A_151, %add3A_492 : i32
      %mul3A_494 = arith.constant 64 : i32
      %mul3A_495 = arith.muli %add3A_493, %mul3A_494 : i32
      %add3A_496 = arith.addi %broadcast_in_dim3A_491, %mul3A_8 : vector<16xi32>
      %add3A_497 = arith.constant 0 : i32
      %add3A_498 = arith.addi %mul3A_495, %add3A_497 : i32
      %swap3A_499 = arith.index_cast %add3A_498 : i32 to index
      %swap3A_500 = tpu.vector_load %arg7[%swap3A_499] {strides = array<i32>} : memref<2048xi32, #tpu.memory_space<vmem>>, vector<16xi32>,
      tpu.vector_store %arg7[%swap3A_499], %add3A_496 {strides = array<i32>} : memref<2048xi32, #tpu.memory_space<vmem>>, vector<16xi32>,
      %add3A_501 = arith.addi %broadcast_in_dim3A_491, %mul3A_14 : vector<16xi32>
      %add3A_502 = arith.constant 16 : i32
      %add3A_503 = arith.addi %mul3A_495, %add3A_502 : i32
      %swap3A_504 = arith.index_cast %add3A_503 : i32 to index
      %swap3A_505 = tpu.vector_load %arg7[%swap3A_504] {strides = array<i32>} : memref<2048xi32, #tpu.memory_space<vmem>>, vector<16xi32>,
      tpu.vector_store %arg7[%swap3A_504], %add3A_501 {strides = array<i32>} : memref<2048xi32, #tpu.memory_space<vmem>>, vector<16xi32>,
      %add3A_506 = arith.addi %broadcast_in_dim3A_491, %mul3A_20 : vector<16xi32>
      %add3A_507 = arith.constant 32 : i32
      %add3A_508 = arith.addi %mul3A_495, %add3A_507 : i32
      %swap3A_509 = arith.index_cast %add3A_508 : i32 to index
      %swap3A_510 = tpu.vector_load %arg7[%swap3A_509] {strides = array<i32>} : memref<2048xi32, #tpu.memory_space<vmem>>, vector<16xi32>,
      tpu.vector_store %arg7[%swap3A_509], %add3A_506 {strides = array<i32>} : memref<2048xi32, #tpu.memory_space<vmem>>, vector<16xi32>,
      %add3A_511 = arith.addi %broadcast_in_dim3A_491, %mul3A_26 : vector<16xi32>
      %add3A_512 = arith.constant 48 : i32
      %add3A_513 = arith.addi %mul3A_495, %add3A_512 : i32
      %swap3A_514 = arith.index_cast %add3A_513 : i32 to index
      %swap3A_515 = tpu.vector_load %arg7[%swap3A_514] {strides = array<i32>} : memref<2048xi32, #tpu.memory_space<vmem>>, vector<16xi32>,
      tpu.vector_store %arg7[%swap3A_514], %add3A_511 {strides = array<i32>} : memref<2048xi32, #tpu.memory_space<vmem>>, vector<16xi32>,
      %slice3A_516 = vector.extract_strided_slice %add3A_168 {offsets = [13], sizes = [1], strides = [1]} : vector<16xi32> to vector<1xi32>
      %squeeze3A_517 = vector.extract %slice3A_516[0] : i32 from vector<1xi32>
      %broadcast_in_dim3A_518 = vector.broadcast %squeeze3A_517 : i32 to vector<16xi32>
      %add3A_519 = arith.constant 13 : i32
      %add3A_520 = arith.addi %multiple_of3A_151, %add3A_519 : i32
      %mul3A_521 = arith.constant 64 : i32
      %mul3A_522 = arith.muli %add3A_520, %mul3A_521 : i32
      %add3A_523 = arith.addi %broadcast_in_dim3A_518, %mul3A_8 : vector<16xi32>
      %add3A_524 = arith.constant 0 : i32
      %add3A_525 = arith.addi %mul3A_522, %add3A_524 : i32
      %swap3A_526 = arith.index_cast %add3A_525 : i32 to index
      %swap3A_527 = tpu.vector_load %arg7[%swap3A_526] {strides = array<i32>} : memref<2048xi32, #tpu.memory_space<vmem>>, vector<16xi32>,
      tpu.vector_store %arg7[%swap3A_526], %add3A_523 {strides = array<i32>} : memref<2048xi32, #tpu.memory_space<vmem>>, vector<16xi32>,
      %add3A_528 = arith.addi %broadcast_in_dim3A_518, %mul3A_14 : vector<16xi32>
      %add3A_529 = arith.constant 16 : i32
      %add3A_530 = arith.addi %mul3A_522, %add3A_529 : i32
      %swap3A_531 = arith.index_cast %add3A_530 : i32 to index
      %swap3A_532 = tpu.vector_load %arg7[%swap3A_531] {strides = array<i32>} : memref<2048xi32, #tpu.memory_space<vmem>>, vector<16xi32>,
      tpu.vector_store %arg7[%swap3A_531], %add3A_528 {strides = array<i32>} : memref<2048xi32, #tpu.memory_space<vmem>>, vector<16xi32>,
      %add3A_533 = arith.addi %broadcast_in_dim3A_518, %mul3A_20 : vector<16xi32>
      %add3A_534 = arith.constant 32 : i32
      %add3A_535 = arith.addi %mul3A_522, %add3A_534 : i32
      %swap3A_536 = arith.index_cast %add3A_535 : i32 to index
      %swap3A_537 = tpu.vector_load %arg7[%swap3A_536] {strides = array<i32>} : memref<2048xi32, #tpu.memory_space<vmem>>, vector<16xi32>,
      tpu.vector_store %arg7[%swap3A_536], %add3A_533 {strides = array<i32>} : memref<2048xi32, #tpu.memory_space<vmem>>, vector<16xi32>,
      %add3A_538 = arith.addi %broadcast_in_dim3A_518, %mul3A_26 : vector<16xi32>
      %add3A_539 = arith.constant 48 : i32
      %add3A_540 = arith.addi %mul3A_522, %add3A_539 : i32
      %swap3A_541 = arith.index_cast %add3A_540 : i32 to index
      %swap3A_542 = tpu.vector_load %arg7[%swap3A_541] {strides = array<i32>} : memref<2048xi32, #tpu.memory_space<vmem>>, vector<16xi32>,
      tpu.vector_store %arg7[%swap3A_541], %add3A_538 {strides = array<i32>} : memref<2048xi32, #tpu.memory_space<vmem>>, vector<16xi32>,
      %slice3A_543 = vector.extract_strided_slice %add3A_168 {offsets = [14], sizes = [1], strides = [1]} : vector<16xi32> to vector<1xi32>
      %squeeze3A_544 = vector.extract %slice3A_543[0] : i32 from vector<1xi32>
      %broadcast_in_dim3A_545 = vector.broadcast %squeeze3A_544 : i32 to vector<16xi32>
      %add3A_546 = arith.constant 14 : i32
      %add3A_547 = arith.addi %multiple_of3A_151, %add3A_546 : i32
      %mul3A_548 = arith.constant 64 : i32
      %mul3A_549 = arith.muli %add3A_547, %mul3A_548 : i32
      %add3A_550 = arith.addi %broadcast_in_dim3A_545, %mul3A_8 : vector<16xi32>
      %add3A_551 = arith.constant 0 : i32
      %add3A_552 = arith.addi %mul3A_549, %add3A_551 : i32
      %swap3A_553 = arith.index_cast %add3A_552 : i32 to index
      %swap3A_554 = tpu.vector_load %arg7[%swap3A_553] {strides = array<i32>} : memref<2048xi32, #tpu.memory_space<vmem>>, vector<16xi32>,
      tpu.vector_store %arg7[%swap3A_553], %add3A_550 {strides = array<i32>} : memref<2048xi32, #tpu.memory_space<vmem>>, vector<16xi32>,
      %add3A_555 = arith.addi %broadcast_in_dim3A_545, %mul3A_14 : vector<16xi32>
      %add3A_556 = arith.constant 16 : i32
      %add3A_557 = arith.addi %mul3A_549, %add3A_556 : i32
      %swap3A_558 = arith.index_cast %add3A_557 : i32 to index
      %swap3A_559 = tpu.vector_load %arg7[%swap3A_558] {strides = array<i32>} : memref<2048xi32, #tpu.memory_space<vmem>>, vector<16xi32>,
      tpu.vector_store %arg7[%swap3A_558], %add3A_555 {strides = array<i32>} : memref<2048xi32, #tpu.memory_space<vmem>>, vector<16xi32>,
      %add3A_560 = arith.addi %broadcast_in_dim3A_545, %mul3A_20 : vector<16xi32>
      %add3A_561 = arith.constant 32 : i32
      %add3A_562 = arith.addi %mul3A_549, %add3A_561 : i32
      %swap3A_563 = arith.index_cast %add3A_562 : i32 to index
      %swap3A_564 = tpu.vector_load %arg7[%swap3A_563] {strides = array<i32>} : memref<2048xi32, #tpu.memory_space<vmem>>, vector<16xi32>,
      tpu.vector_store %arg7[%swap3A_563], %add3A_560 {strides = array<i32>} : memref<2048xi32, #tpu.memory_space<vmem>>, vector<16xi32>,
      %add3A_565 = arith.addi %broadcast_in_dim3A_545, %mul3A_26 : vector<16xi32>
      %add3A_566 = arith.constant 48 : i32
      %add3A_567 = arith.addi %mul3A_549, %add3A_566 : i32
      %swap3A_568 = arith.index_cast %add3A_567 : i32 to index
      %swap3A_569 = tpu.vector_load %arg7[%swap3A_568] {strides = array<i32>} : memref<2048xi32, #tpu.memory_space<vmem>>, vector<16xi32>,
      tpu.vector_store %arg7[%swap3A_568], %add3A_565 {strides = array<i32>} : memref<2048xi32, #tpu.memory_space<vmem>>, vector<16xi32>,
      %slice3A_570 = vector.extract_strided_slice %add3A_168 {offsets = [15], sizes = [1], strides = [1]} : vector<16xi32> to vector<1xi32>
      %squeeze3A_571 = vector.extract %slice3A_570[0] : i32 from vector<1xi32>
      %broadcast_in_dim3A_572 = vector.broadcast %squeeze3A_571 : i32 to vector<16xi32>
      %add3A_573 = arith.constant 15 : i32
      %add3A_574 = arith.addi %multiple_of3A_151, %add3A_573 : i32
      %mul3A_575 = arith.constant 64 : i32
      %mul3A_576 = arith.muli %add3A_574, %mul3A_575 : i32
      %add3A_577 = arith.addi %broadcast_in_dim3A_572, %mul3A_8 : vector<16xi32>
      %add3A_578 = arith.constant 0 : i32
      %add3A_579 = arith.addi %mul3A_576, %add3A_578 : i32
      %swap3A_580 = arith.index_cast %add3A_579 : i32 to index
      %swap3A_581 = tpu.vector_load %arg7[%swap3A_580] {strides = array<i32>} : memref<2048xi32, #tpu.memory_space<vmem>>, vector<16xi32>,
      tpu.vector_store %arg7[%swap3A_580], %add3A_577 {strides = array<i32>} : memref<2048xi32, #tpu.memory_space<vmem>>, vector<16xi32>,
      %add3A_582 = arith.addi %broadcast_in_dim3A_572, %mul3A_14 : vector<16xi32>
      %add3A_583 = arith.constant 16 : i32
      %add3A_584 = arith.addi %mul3A_576, %add3A_583 : i32
      %swap3A_585 = arith.index_cast %add3A_584 : i32 to index
      %swap3A_586 = tpu.vector_load %arg7[%swap3A_585] {strides = array<i32>} : memref<2048xi32, #tpu.memory_space<vmem>>, vector<16xi32>,
      tpu.vector_store %arg7[%swap3A_585], %add3A_582 {strides = array<i32>} : memref<2048xi32, #tpu.memory_space<vmem>>, vector<16xi32>,
      %add3A_587 = arith.addi %broadcast_in_dim3A_572, %mul3A_20 : vector<16xi32>
      %add3A_588 = arith.constant 32 : i32
      %add3A_589 = arith.addi %mul3A_576, %add3A_588 : i32
      %swap3A_590 = arith.index_cast %add3A_589 : i32 to index
      %swap3A_591 = tpu.vector_load %arg7[%swap3A_590] {strides = array<i32>} : memref<2048xi32, #tpu.memory_space<vmem>>, vector<16xi32>,
      tpu.vector_store %arg7[%swap3A_590], %add3A_587 {strides = array<i32>} : memref<2048xi32, #tpu.memory_space<vmem>>, vector<16xi32>,
      %add3A_592 = arith.addi %broadcast_in_dim3A_572, %mul3A_26 : vector<16xi32>
      %add3A_593 = arith.constant 48 : i32
      %add3A_594 = arith.addi %mul3A_576, %add3A_593 : i32
      %swap3A_595 = arith.index_cast %add3A_594 : i32 to index
      %swap3A_596 = tpu.vector_load %arg7[%swap3A_595] {strides = array<i32>} : memref<2048xi32, #tpu.memory_space<vmem>>, vector<16xi32>,
      tpu.vector_store %arg7[%swap3A_595], %add3A_592 {strides = array<i32>} : memref<2048xi32, #tpu.memory_space<vmem>>, vector<16xi32>,
    }
    %scan3A_31 = arith.constant 2 : i32
    %dma_start3A = arith.constant 0 : i32
    %dma_start3A_32 = tpu.memref_slice %arg2[%dma_start3A] : memref<75497472xf32, #tpu.memory_space<hbm>> -> memref<75497472xf32, #tpu.memory_space<hbm>>
    tpu.enqueue_indirect_dma source(%dma_start3A_32 : memref<75497472xf32, #tpu.memory_space<hbm>>) target(%arg9 : memref<2048xf32, #tpu.memory_space<vmem>>) offsets(%arg7 : memref<2048xi32, #tpu.memory_space<vmem>>) semaphore(%arg13 : memref<!tpu.dma_semaphore, #tpu.memory_space<semaphore_mem>>)
    %scan3A_33 = arith.constant 0 : i32
    %scan3A_34 = arith.constant 2 : i32
    %scan3A_35 = arith.constant 3 : i32
    %scan3A_36 = arith.addi %scan3A_34, %scan3A_35 : i32
    %scan3A_37 = arith.constant 1 : i32
    scf.for %scan3A_144 = %scan3A_34 to %scan3A_36 step %scan3A_37  : i32 {
      %mul3A_145 = arith.constant 16 : i32
      %mul3A_146 = arith.muli %scan3A_144, %mul3A_145 : i32
      %multiple_of3A = tpu.assume_multiple %mul3A_146, 16 : i32
      %sub3A_147 = arith.constant 2 : i32
      %sub3A_148 = arith.subi %scan3A_144, %sub3A_147 : i32
      %mul3A_149 = arith.constant 16 : i32
      %mul3A_150 = arith.muli %sub3A_148, %mul3A_149 : i32
      %multiple_of3A_151 = tpu.assume_multiple %mul3A_150, 16 : i32
      %get3A = arith.index_cast %multiple_of3A : i32 to index
      %get3A_152 = tpu.vector_load %arg6[%get3A] {strides = array<i32>} : memref<240xi32, #tpu.memory_space<vmem>>, vector<16xi32>,
      %add3A_153 = arith.constant 80 : i32
      %add3A_154 = arith.addi %add3A_153, %multiple_of3A : i32
      %get3A_155 = arith.index_cast %add3A_154 : i32 to index
      %get3A_156 = tpu.vector_load %arg6[%get3A_155] {strides = array<i32>} : memref<240xi32, #tpu.memory_space<vmem>>, vector<16xi32>,
      %add3A_157 = arith.constant 160 : i32
      %add3A_158 = arith.addi %add3A_157, %multiple_of3A : i32
      %get3A_159 = arith.index_cast %add3A_158 : i32 to index
      %get3A_160 = tpu.vector_load %arg6[%get3A_159] {strides = array<i32>} : memref<240xi32, #tpu.memory_space<vmem>>, vector<16xi32>,
      %mul3A_161 = arith.constant 96 : i32
      %mul3A_162 = vector.broadcast %mul3A_161 : i32 to vector<16xi32>
      %mul3A_163 = arith.muli %get3A_156, %mul3A_162 : vector<16xi32>
      %add3A_164 = arith.addi %mul3A_163, %get3A_160 : vector<16xi32>
      %mul3A_165 = arith.constant 8192 : i32
      %mul3A_166 = vector.broadcast %mul3A_165 : i32 to vector<16xi32>
      %mul3A_167 = arith.muli %add3A_164, %mul3A_166 : vector<16xi32>
      %add3A_168 = arith.addi %mul3A_167, %get3A_152 : vector<16xi32>
      %slice3A = vector.extract_strided_slice %add3A_168 {offsets = [0], sizes = [1], strides = [1]} : vector<16xi32> to vector<1xi32>
      %squeeze3A = vector.extract %slice3A[0] : i32 from vector<1xi32>
      %broadcast_in_dim3A = vector.broadcast %squeeze3A : i32 to vector<16xi32>
      %add3A_169 = arith.constant 0 : i32
      %add3A_170 = arith.addi %multiple_of3A_151, %add3A_169 : i32
      %mul3A_171 = arith.constant 64 : i32
      %mul3A_172 = arith.muli %add3A_170, %mul3A_171 : i32
      %add3A_173 = arith.addi %broadcast_in_dim3A, %mul3A_8 : vector<16xi32>
      %add3A_174 = arith.constant 0 : i32
      %add3A_175 = arith.addi %mul3A_172, %add3A_174 : i32
      %swap3A = arith.index_cast %add3A_175 : i32 to index
      %swap3A_176 = tpu.vector_load %arg8[%swap3A] {strides = array<i32>} : memref<3072xi32, #tpu.memory_space<vmem>>, vector<16xi32>,
      tpu.vector_store %arg8[%swap3A], %add3A_173 {strides = array<i32>} : memref<3072xi32, #tpu.memory_space<vmem>>, vector<16xi32>,
      %add3A_177 = arith.addi %broadcast_in_dim3A, %mul3A_14 : vector<16xi32>
      %add3A_178 = arith.constant 16 : i32
      %add3A_179 = arith.addi %mul3A_172, %add3A_178 : i32
      %swap3A_180 = arith.index_cast %add3A_179 : i32 to index
      %swap3A_181 = tpu.vector_load %arg8[%swap3A_180] {strides = array<i32>} : memref<3072xi32, #tpu.memory_space<vmem>>, vector<16xi32>,
      tpu.vector_store %arg8[%swap3A_180], %add3A_177 {strides = array<i32>} : memref<3072xi32, #tpu.memory_space<vmem>>, vector<16xi32>,
      %add3A_182 = arith.addi %broadcast_in_dim3A, %mul3A_20 : vector<16xi32>
      %add3A_183 = arith.constant 32 : i32
      %add3A_184 = arith.addi %mul3A_172, %add3A_183 : i32
      %swap3A_185 = arith.index_cast %add3A_184 : i32 to index
      %swap3A_186 = tpu.vector_load %arg8[%swap3A_185] {strides = array<i32>} : memref<3072xi32, #tpu.memory_space<vmem>>, vector<16xi32>,
      tpu.vector_store %arg8[%swap3A_185], %add3A_182 {strides = array<i32>} : memref<3072xi32, #tpu.memory_space<vmem>>, vector<16xi32>,
      %add3A_187 = arith.addi %broadcast_in_dim3A, %mul3A_26 : vector<16xi32>
      %add3A_188 = arith.constant 48 : i32
      %add3A_189 = arith.addi %mul3A_172, %add3A_188 : i32
      %swap3A_190 = arith.index_cast %add3A_189 : i32 to index
      %swap3A_191 = tpu.vector_load %arg8[%swap3A_190] {strides = array<i32>} : memref<3072xi32, #tpu.memory_space<vmem>>, vector<16xi32>,
      tpu.vector_store %arg8[%swap3A_190], %add3A_187 {strides = array<i32>} : memref<3072xi32, #tpu.memory_space<vmem>>, vector<16xi32>,
      %slice3A_192 = vector.extract_strided_slice %add3A_168 {offsets = [1], sizes = [1], strides = [1]} : vector<16xi32> to vector<1xi32>
      %squeeze3A_193 = vector.extract %slice3A_192[0] : i32 from vector<1xi32>
      %broadcast_in_dim3A_194 = vector.broadcast %squeeze3A_193 : i32 to vector<16xi32>
      %add3A_195 = arith.constant 1 : i32
      %add3A_196 = arith.addi %multiple_of3A_151, %add3A_195 : i32
      %mul3A_197 = arith.constant 64 : i32
      %mul3A_198 = arith.muli %add3A_196, %mul3A_197 : i32
      %add3A_199 = arith.addi %broadcast_in_dim3A_194, %mul3A_8 : vector<16xi32>
      %add3A_200 = arith.constant 0 : i32
      %add3A_201 = arith.addi %mul3A_198, %add3A_200 : i32
      %swap3A_202 = arith.index_cast %add3A_201 : i32 to index
      %swap3A_203 = tpu.vector_load %arg8[%swap3A_202] {strides = array<i32>} : memref<3072xi32, #tpu.memory_space<vmem>>, vector<16xi32>,
      tpu.vector_store %arg8[%swap3A_202], %add3A_199 {strides = array<i32>} : memref<3072xi32, #tpu.memory_space<vmem>>, vector<16xi32>,
      %add3A_204 = arith.addi %broadcast_in_dim3A_194, %mul3A_14 : vector<16xi32>
      %add3A_205 = arith.constant 16 : i32
      %add3A_206 = arith.addi %mul3A_198, %add3A_205 : i32
      %swap3A_207 = arith.index_cast %add3A_206 : i32 to index
      %swap3A_208 = tpu.vector_load %arg8[%swap3A_207] {strides = array<i32>} : memref<3072xi32, #tpu.memory_space<vmem>>, vector<16xi32>,
      tpu.vector_store %arg8[%swap3A_207], %add3A_204 {strides = array<i32>} : memref<3072xi32, #tpu.memory_space<vmem>>, vector<16xi32>,
      %add3A_209 = arith.addi %broadcast_in_dim3A_194, %mul3A_20 : vector<16xi32>
      %add3A_210 = arith.constant 32 : i32
      %add3A_211 = arith.addi %mul3A_198, %add3A_210 : i32
      %swap3A_212 = arith.index_cast %add3A_211 : i32 to index
      %swap3A_213 = tpu.vector_load %arg8[%swap3A_212] {strides = array<i32>} : memref<3072xi32, #tpu.memory_space<vmem>>, vector<16xi32>,
      tpu.vector_store %arg8[%swap3A_212], %add3A_209 {strides = array<i32>} : memref<3072xi32, #tpu.memory_space<vmem>>, vector<16xi32>,
      %add3A_214 = arith.addi %broadcast_in_dim3A_194, %mul3A_26 : vector<16xi32>
      %add3A_215 = arith.constant 48 : i32
      %add3A_216 = arith.addi %mul3A_198, %add3A_215 : i32
      %swap3A_217 = arith.index_cast %add3A_216 : i32 to index
      %swap3A_218 = tpu.vector_load %arg8[%swap3A_217] {strides = array<i32>} : memref<3072xi32, #tpu.memory_space<vmem>>, vector<16xi32>,
      tpu.vector_store %arg8[%swap3A_217], %add3A_214 {strides = array<i32>} : memref<3072xi32, #tpu.memory_space<vmem>>, vector<16xi32>,
      %slice3A_219 = vector.extract_strided_slice %add3A_168 {offsets = [2], sizes = [1], strides = [1]} : vector<16xi32> to vector<1xi32>
      %squeeze3A_220 = vector.extract %slice3A_219[0] : i32 from vector<1xi32>
      %broadcast_in_dim3A_221 = vector.broadcast %squeeze3A_220 : i32 to vector<16xi32>
      %add3A_222 = arith.constant 2 : i32
      %add3A_223 = arith.addi %multiple_of3A_151, %add3A_222 : i32
      %mul3A_224 = arith.constant 64 : i32
      %mul3A_225 = arith.muli %add3A_223, %mul3A_224 : i32
      %add3A_226 = arith.addi %broadcast_in_dim3A_221, %mul3A_8 : vector<16xi32>
      %add3A_227 = arith.constant 0 : i32
      %add3A_228 = arith.addi %mul3A_225, %add3A_227 : i32
      %swap3A_229 = arith.index_cast %add3A_228 : i32 to index
      %swap3A_230 = tpu.vector_load %arg8[%swap3A_229] {strides = array<i32>} : memref<3072xi32, #tpu.memory_space<vmem>>, vector<16xi32>,
      tpu.vector_store %arg8[%swap3A_229], %add3A_226 {strides = array<i32>} : memref<3072xi32, #tpu.memory_space<vmem>>, vector<16xi32>,
      %add3A_231 = arith.addi %broadcast_in_dim3A_221, %mul3A_14 : vector<16xi32>
      %add3A_232 = arith.constant 16 : i32
      %add3A_233 = arith.addi %mul3A_225, %add3A_232 : i32
      %swap3A_234 = arith.index_cast %add3A_233 : i32 to index
      %swap3A_235 = tpu.vector_load %arg8[%swap3A_234] {strides = array<i32>} : memref<3072xi32, #tpu.memory_space<vmem>>, vector<16xi32>,
      tpu.vector_store %arg8[%swap3A_234], %add3A_231 {strides = array<i32>} : memref<3072xi32, #tpu.memory_space<vmem>>, vector<16xi32>,
      %add3A_236 = arith.addi %broadcast_in_dim3A_221, %mul3A_20 : vector<16xi32>
      %add3A_237 = arith.constant 32 : i32
      %add3A_238 = arith.addi %mul3A_225, %add3A_237 : i32
      %swap3A_239 = arith.index_cast %add3A_238 : i32 to index
      %swap3A_240 = tpu.vector_load %arg8[%swap3A_239] {strides = array<i32>} : memref<3072xi32, #tpu.memory_space<vmem>>, vector<16xi32>,
      tpu.vector_store %arg8[%swap3A_239], %add3A_236 {strides = array<i32>} : memref<3072xi32, #tpu.memory_space<vmem>>, vector<16xi32>,
      %add3A_241 = arith.addi %broadcast_in_dim3A_221, %mul3A_26 : vector<16xi32>
      %add3A_242 = arith.constant 48 : i32
      %add3A_243 = arith.addi %mul3A_225, %add3A_242 : i32
      %swap3A_244 = arith.index_cast %add3A_243 : i32 to index
      %swap3A_245 = tpu.vector_load %arg8[%swap3A_244] {strides = array<i32>} : memref<3072xi32, #tpu.memory_space<vmem>>, vector<16xi32>,
      tpu.vector_store %arg8[%swap3A_244], %add3A_241 {strides = array<i32>} : memref<3072xi32, #tpu.memory_space<vmem>>, vector<16xi32>,
      %slice3A_246 = vector.extract_strided_slice %add3A_168 {offsets = [3], sizes = [1], strides = [1]} : vector<16xi32> to vector<1xi32>
      %squeeze3A_247 = vector.extract %slice3A_246[0] : i32 from vector<1xi32>
      %broadcast_in_dim3A_248 = vector.broadcast %squeeze3A_247 : i32 to vector<16xi32>
      %add3A_249 = arith.constant 3 : i32
      %add3A_250 = arith.addi %multiple_of3A_151, %add3A_249 : i32
      %mul3A_251 = arith.constant 64 : i32
      %mul3A_252 = arith.muli %add3A_250, %mul3A_251 : i32
      %add3A_253 = arith.addi %broadcast_in_dim3A_248, %mul3A_8 : vector<16xi32>
      %add3A_254 = arith.constant 0 : i32
      %add3A_255 = arith.addi %mul3A_252, %add3A_254 : i32
      %swap3A_256 = arith.index_cast %add3A_255 : i32 to index
      %swap3A_257 = tpu.vector_load %arg8[%swap3A_256] {strides = array<i32>} : memref<3072xi32, #tpu.memory_space<vmem>>, vector<16xi32>,
      tpu.vector_store %arg8[%swap3A_256], %add3A_253 {strides = array<i32>} : memref<3072xi32, #tpu.memory_space<vmem>>, vector<16xi32>,
      %add3A_258 = arith.addi %broadcast_in_dim3A_248, %mul3A_14 : vector<16xi32>
      %add3A_259 = arith.constant 16 : i32
      %add3A_260 = arith.addi %mul3A_252, %add3A_259 : i32
      %swap3A_261 = arith.index_cast %add3A_260 : i32 to index
      %swap3A_262 = tpu.vector_load %arg8[%swap3A_261] {strides = array<i32>} : memref<3072xi32, #tpu.memory_space<vmem>>, vector<16xi32>,
      tpu.vector_store %arg8[%swap3A_261], %add3A_258 {strides = array<i32>} : memref<3072xi32, #tpu.memory_space<vmem>>, vector<16xi32>,
      %add3A_263 = arith.addi %broadcast_in_dim3A_248, %mul3A_20 : vector<16xi32>
      %add3A_264 = arith.constant 32 : i32
      %add3A_265 = arith.addi %mul3A_252, %add3A_264 : i32
      %swap3A_266 = arith.index_cast %add3A_265 : i32 to index
      %swap3A_267 = tpu.vector_load %arg8[%swap3A_266] {strides = array<i32>} : memref<3072xi32, #tpu.memory_space<vmem>>, vector<16xi32>,
      tpu.vector_store %arg8[%swap3A_266], %add3A_263 {strides = array<i32>} : memref<3072xi32, #tpu.memory_space<vmem>>, vector<16xi32>,
      %add3A_268 = arith.addi %broadcast_in_dim3A_248, %mul3A_26 : vector<16xi32>
      %add3A_269 = arith.constant 48 : i32
      %add3A_270 = arith.addi %mul3A_252, %add3A_269 : i32
      %swap3A_271 = arith.index_cast %add3A_270 : i32 to index
      %swap3A_272 = tpu.vector_load %arg8[%swap3A_271] {strides = array<i32>} : memref<3072xi32, #tpu.memory_space<vmem>>, vector<16xi32>,
      tpu.vector_store %arg8[%swap3A_271], %add3A_268 {strides = array<i32>} : memref<3072xi32, #tpu.memory_space<vmem>>, vector<16xi32>,
      %slice3A_273 = vector.extract_strided_slice %add3A_168 {offsets = [4], sizes = [1], strides = [1]} : vector<16xi32> to vector<1xi32>
      %squeeze3A_274 = vector.extract %slice3A_273[0] : i32 from vector<1xi32>
      %broadcast_in_dim3A_275 = vector.broadcast %squeeze3A_274 : i32 to vector<16xi32>
      %add3A_276 = arith.constant 4 : i32
      %add3A_277 = arith.addi %multiple_of3A_151, %add3A_276 : i32
      %mul3A_278 = arith.constant 64 : i32
      %mul3A_279 = arith.muli %add3A_277, %mul3A_278 : i32
      %add3A_280 = arith.addi %broadcast_in_dim3A_275, %mul3A_8 : vector<16xi32>
      %add3A_281 = arith.constant 0 : i32
      %add3A_282 = arith.addi %mul3A_279, %add3A_281 : i32
      %swap3A_283 = arith.index_cast %add3A_282 : i32 to index
      %swap3A_284 = tpu.vector_load %arg8[%swap3A_283] {strides = array<i32>} : memref<3072xi32, #tpu.memory_space<vmem>>, vector<16xi32>,
      tpu.vector_store %arg8[%swap3A_283], %add3A_280 {strides = array<i32>} : memref<3072xi32, #tpu.memory_space<vmem>>, vector<16xi32>,
      %add3A_285 = arith.addi %broadcast_in_dim3A_275, %mul3A_14 : vector<16xi32>
      %add3A_286 = arith.constant 16 : i32
      %add3A_287 = arith.addi %mul3A_279, %add3A_286 : i32
      %swap3A_288 = arith.index_cast %add3A_287 : i32 to index
      %swap3A_289 = tpu.vector_load %arg8[%swap3A_288] {strides = array<i32>} : memref<3072xi32, #tpu.memory_space<vmem>>, vector<16xi32>,
      tpu.vector_store %arg8[%swap3A_288], %add3A_285 {strides = array<i32>} : memref<3072xi32, #tpu.memory_space<vmem>>, vector<16xi32>,
      %add3A_290 = arith.addi %broadcast_in_dim3A_275, %mul3A_20 : vector<16xi32>
      %add3A_291 = arith.constant 32 : i32
      %add3A_292 = arith.addi %mul3A_279, %add3A_291 : i32
      %swap3A_293 = arith.index_cast %add3A_292 : i32 to index
      %swap3A_294 = tpu.vector_load %arg8[%swap3A_293] {strides = array<i32>} : memref<3072xi32, #tpu.memory_space<vmem>>, vector<16xi32>,
      tpu.vector_store %arg8[%swap3A_293], %add3A_290 {strides = array<i32>} : memref<3072xi32, #tpu.memory_space<vmem>>, vector<16xi32>,
      %add3A_295 = arith.addi %broadcast_in_dim3A_275, %mul3A_26 : vector<16xi32>
      %add3A_296 = arith.constant 48 : i32
      %add3A_297 = arith.addi %mul3A_279, %add3A_296 : i32
      %swap3A_298 = arith.index_cast %add3A_297 : i32 to index
      %swap3A_299 = tpu.vector_load %arg8[%swap3A_298] {strides = array<i32>} : memref<3072xi32, #tpu.memory_space<vmem>>, vector<16xi32>,
      tpu.vector_store %arg8[%swap3A_298], %add3A_295 {strides = array<i32>} : memref<3072xi32, #tpu.memory_space<vmem>>, vector<16xi32>,
      %slice3A_300 = vector.extract_strided_slice %add3A_168 {offsets = [5], sizes = [1], strides = [1]} : vector<16xi32> to vector<1xi32>
      %squeeze3A_301 = vector.extract %slice3A_300[0] : i32 from vector<1xi32>
      %broadcast_in_dim3A_302 = vector.broadcast %squeeze3A_301 : i32 to vector<16xi32>
      %add3A_303 = arith.constant 5 : i32
      %add3A_304 = arith.addi %multiple_of3A_151, %add3A_303 : i32
      %mul3A_305 = arith.constant 64 : i32
      %mul3A_306 = arith.muli %add3A_304, %mul3A_305 : i32
      %add3A_307 = arith.addi %broadcast_in_dim3A_302, %mul3A_8 : vector<16xi32>
      %add3A_308 = arith.constant 0 : i32
      %add3A_309 = arith.addi %mul3A_306, %add3A_308 : i32
      %swap3A_310 = arith.index_cast %add3A_309 : i32 to index
      %swap3A_311 = tpu.vector_load %arg8[%swap3A_310] {strides = array<i32>} : memref<3072xi32, #tpu.memory_space<vmem>>, vector<16xi32>,
      tpu.vector_store %arg8[%swap3A_310], %add3A_307 {strides = array<i32>} : memref<3072xi32, #tpu.memory_space<vmem>>, vector<16xi32>,
      %add3A_312 = arith.addi %broadcast_in_dim3A_302, %mul3A_14 : vector<16xi32>
      %add3A_313 = arith.constant 16 : i32
      %add3A_314 = arith.addi %mul3A_306, %add3A_313 : i32
      %swap3A_315 = arith.index_cast %add3A_314 : i32 to index
      %swap3A_316 = tpu.vector_load %arg8[%swap3A_315] {strides = array<i32>} : memref<3072xi32, #tpu.memory_space<vmem>>, vector<16xi32>,
      tpu.vector_store %arg8[%swap3A_315], %add3A_312 {strides = array<i32>} : memref<3072xi32, #tpu.memory_space<vmem>>, vector<16xi32>,
      %add3A_317 = arith.addi %broadcast_in_dim3A_302, %mul3A_20 : vector<16xi32>
      %add3A_318 = arith.constant 32 : i32
      %add3A_319 = arith.addi %mul3A_306, %add3A_318 : i32
      %swap3A_320 = arith.index_cast %add3A_319 : i32 to index
      %swap3A_321 = tpu.vector_load %arg8[%swap3A_320] {strides = array<i32>} : memref<3072xi32, #tpu.memory_space<vmem>>, vector<16xi32>,
      tpu.vector_store %arg8[%swap3A_320], %add3A_317 {strides = array<i32>} : memref<3072xi32, #tpu.memory_space<vmem>>, vector<16xi32>,
      %add3A_322 = arith.addi %broadcast_in_dim3A_302, %mul3A_26 : vector<16xi32>
      %add3A_323 = arith.constant 48 : i32
      %add3A_324 = arith.addi %mul3A_306, %add3A_323 : i32
      %swap3A_325 = arith.index_cast %add3A_324 : i32 to index
      %swap3A_326 = tpu.vector_load %arg8[%swap3A_325] {strides = array<i32>} : memref<3072xi32, #tpu.memory_space<vmem>>, vector<16xi32>,
      tpu.vector_store %arg8[%swap3A_325], %add3A_322 {strides = array<i32>} : memref<3072xi32, #tpu.memory_space<vmem>>, vector<16xi32>,
      %slice3A_327 = vector.extract_strided_slice %add3A_168 {offsets = [6], sizes = [1], strides = [1]} : vector<16xi32> to vector<1xi32>
      %squeeze3A_328 = vector.extract %slice3A_327[0] : i32 from vector<1xi32>
      %broadcast_in_dim3A_329 = vector.broadcast %squeeze3A_328 : i32 to vector<16xi32>
      %add3A_330 = arith.constant 6 : i32
      %add3A_331 = arith.addi %multiple_of3A_151, %add3A_330 : i32
      %mul3A_332 = arith.constant 64 : i32
      %mul3A_333 = arith.muli %add3A_331, %mul3A_332 : i32
      %add3A_334 = arith.addi %broadcast_in_dim3A_329, %mul3A_8 : vector<16xi32>
      %add3A_335 = arith.constant 0 : i32
      %add3A_336 = arith.addi %mul3A_333, %add3A_335 : i32
      %swap3A_337 = arith.index_cast %add3A_336 : i32 to index
      %swap3A_338 = tpu.vector_load %arg8[%swap3A_337] {strides = array<i32>} : memref<3072xi32, #tpu.memory_space<vmem>>, vector<16xi32>,
      tpu.vector_store %arg8[%swap3A_337], %add3A_334 {strides = array<i32>} : memref<3072xi32, #tpu.memory_space<vmem>>, vector<16xi32>,
      %add3A_339 = arith.addi %broadcast_in_dim3A_329, %mul3A_14 : vector<16xi32>
      %add3A_340 = arith.constant 16 : i32
      %add3A_341 = arith.addi %mul3A_333, %add3A_340 : i32
      %swap3A_342 = arith.index_cast %add3A_341 : i32 to index
      %swap3A_343 = tpu.vector_load %arg8[%swap3A_342] {strides = array<i32>} : memref<3072xi32, #tpu.memory_space<vmem>>, vector<16xi32>,
      tpu.vector_store %arg8[%swap3A_342], %add3A_339 {strides = array<i32>} : memref<3072xi32, #tpu.memory_space<vmem>>, vector<16xi32>,
      %add3A_344 = arith.addi %broadcast_in_dim3A_329, %mul3A_20 : vector<16xi32>
      %add3A_345 = arith.constant 32 : i32
      %add3A_346 = arith.addi %mul3A_333, %add3A_345 : i32
      %swap3A_347 = arith.index_cast %add3A_346 : i32 to index
      %swap3A_348 = tpu.vector_load %arg8[%swap3A_347] {strides = array<i32>} : memref<3072xi32, #tpu.memory_space<vmem>>, vector<16xi32>,
      tpu.vector_store %arg8[%swap3A_347], %add3A_344 {strides = array<i32>} : memref<3072xi32, #tpu.memory_space<vmem>>, vector<16xi32>,
      %add3A_349 = arith.addi %broadcast_in_dim3A_329, %mul3A_26 : vector<16xi32>
      %add3A_350 = arith.constant 48 : i32
      %add3A_351 = arith.addi %mul3A_333, %add3A_350 : i32
      %swap3A_352 = arith.index_cast %add3A_351 : i32 to index
      %swap3A_353 = tpu.vector_load %arg8[%swap3A_352] {strides = array<i32>} : memref<3072xi32, #tpu.memory_space<vmem>>, vector<16xi32>,
      tpu.vector_store %arg8[%swap3A_352], %add3A_349 {strides = array<i32>} : memref<3072xi32, #tpu.memory_space<vmem>>, vector<16xi32>,
      %slice3A_354 = vector.extract_strided_slice %add3A_168 {offsets = [7], sizes = [1], strides = [1]} : vector<16xi32> to vector<1xi32>
      %squeeze3A_355 = vector.extract %slice3A_354[0] : i32 from vector<1xi32>
      %broadcast_in_dim3A_356 = vector.broadcast %squeeze3A_355 : i32 to vector<16xi32>
      %add3A_357 = arith.constant 7 : i32
      %add3A_358 = arith.addi %multiple_of3A_151, %add3A_357 : i32
      %mul3A_359 = arith.constant 64 : i32
      %mul3A_360 = arith.muli %add3A_358, %mul3A_359 : i32
      %add3A_361 = arith.addi %broadcast_in_dim3A_356, %mul3A_8 : vector<16xi32>
      %add3A_362 = arith.constant 0 : i32
      %add3A_363 = arith.addi %mul3A_360, %add3A_362 : i32
      %swap3A_364 = arith.index_cast %add3A_363 : i32 to index
      %swap3A_365 = tpu.vector_load %arg8[%swap3A_364] {strides = array<i32>} : memref<3072xi32, #tpu.memory_space<vmem>>, vector<16xi32>,
      tpu.vector_store %arg8[%swap3A_364], %add3A_361 {strides = array<i32>} : memref<3072xi32, #tpu.memory_space<vmem>>, vector<16xi32>,
      %add3A_366 = arith.addi %broadcast_in_dim3A_356, %mul3A_14 : vector<16xi32>
      %add3A_367 = arith.constant 16 : i32
      %add3A_368 = arith.addi %mul3A_360, %add3A_367 : i32
      %swap3A_369 = arith.index_cast %add3A_368 : i32 to index
      %swap3A_370 = tpu.vector_load %arg8[%swap3A_369] {strides = array<i32>} : memref<3072xi32, #tpu.memory_space<vmem>>, vector<16xi32>,
      tpu.vector_store %arg8[%swap3A_369], %add3A_366 {strides = array<i32>} : memref<3072xi32, #tpu.memory_space<vmem>>, vector<16xi32>,
      %add3A_371 = arith.addi %broadcast_in_dim3A_356, %mul3A_20 : vector<16xi32>
      %add3A_372 = arith.constant 32 : i32
      %add3A_373 = arith.addi %mul3A_360, %add3A_372 : i32
      %swap3A_374 = arith.index_cast %add3A_373 : i32 to index
      %swap3A_375 = tpu.vector_load %arg8[%swap3A_374] {strides = array<i32>} : memref<3072xi32, #tpu.memory_space<vmem>>, vector<16xi32>,
      tpu.vector_store %arg8[%swap3A_374], %add3A_371 {strides = array<i32>} : memref<3072xi32, #tpu.memory_space<vmem>>, vector<16xi32>,
      %add3A_376 = arith.addi %broadcast_in_dim3A_356, %mul3A_26 : vector<16xi32>
      %add3A_377 = arith.constant 48 : i32
      %add3A_378 = arith.addi %mul3A_360, %add3A_377 : i32
      %swap3A_379 = arith.index_cast %add3A_378 : i32 to index
      %swap3A_380 = tpu.vector_load %arg8[%swap3A_379] {strides = array<i32>} : memref<3072xi32, #tpu.memory_space<vmem>>, vector<16xi32>,
      tpu.vector_store %arg8[%swap3A_379], %add3A_376 {strides = array<i32>} : memref<3072xi32, #tpu.memory_space<vmem>>, vector<16xi32>,
      %slice3A_381 = vector.extract_strided_slice %add3A_168 {offsets = [8], sizes = [1], strides = [1]} : vector<16xi32> to vector<1xi32>
      %squeeze3A_382 = vector.extract %slice3A_381[0] : i32 from vector<1xi32>
      %broadcast_in_dim3A_383 = vector.broadcast %squeeze3A_382 : i32 to vector<16xi32>
      %add3A_384 = arith.constant 8 : i32
      %add3A_385 = arith.addi %multiple_of3A_151, %add3A_384 : i32
      %mul3A_386 = arith.constant 64 : i32
      %mul3A_387 = arith.muli %add3A_385, %mul3A_386 : i32
      %add3A_388 = arith.addi %broadcast_in_dim3A_383, %mul3A_8 : vector<16xi32>
      %add3A_389 = arith.constant 0 : i32
      %add3A_390 = arith.addi %mul3A_387, %add3A_389 : i32
      %swap3A_391 = arith.index_cast %add3A_390 : i32 to index
      %swap3A_392 = tpu.vector_load %arg8[%swap3A_391] {strides = array<i32>} : memref<3072xi32, #tpu.memory_space<vmem>>, vector<16xi32>,
      tpu.vector_store %arg8[%swap3A_391], %add3A_388 {strides = array<i32>} : memref<3072xi32, #tpu.memory_space<vmem>>, vector<16xi32>,
      %add3A_393 = arith.addi %broadcast_in_dim3A_383, %mul3A_14 : vector<16xi32>
      %add3A_394 = arith.constant 16 : i32
      %add3A_395 = arith.addi %mul3A_387, %add3A_394 : i32
      %swap3A_396 = arith.index_cast %add3A_395 : i32 to index
      %swap3A_397 = tpu.vector_load %arg8[%swap3A_396] {strides = array<i32>} : memref<3072xi32, #tpu.memory_space<vmem>>, vector<16xi32>,
      tpu.vector_store %arg8[%swap3A_396], %add3A_393 {strides = array<i32>} : memref<3072xi32, #tpu.memory_space<vmem>>, vector<16xi32>,
      %add3A_398 = arith.addi %broadcast_in_dim3A_383, %mul3A_20 : vector<16xi32>
      %add3A_399 = arith.constant 32 : i32
      %add3A_400 = arith.addi %mul3A_387, %add3A_399 : i32
      %swap3A_401 = arith.index_cast %add3A_400 : i32 to index
      %swap3A_402 = tpu.vector_load %arg8[%swap3A_401] {strides = array<i32>} : memref<3072xi32, #tpu.memory_space<vmem>>, vector<16xi32>,
      tpu.vector_store %arg8[%swap3A_401], %add3A_398 {strides = array<i32>} : memref<3072xi32, #tpu.memory_space<vmem>>, vector<16xi32>,
      %add3A_403 = arith.addi %broadcast_in_dim3A_383, %mul3A_26 : vector<16xi32>
      %add3A_404 = arith.constant 48 : i32
      %add3A_405 = arith.addi %mul3A_387, %add3A_404 : i32
      %swap3A_406 = arith.index_cast %add3A_405 : i32 to index
      %swap3A_407 = tpu.vector_load %arg8[%swap3A_406] {strides = array<i32>} : memref<3072xi32, #tpu.memory_space<vmem>>, vector<16xi32>,
      tpu.vector_store %arg8[%swap3A_406], %add3A_403 {strides = array<i32>} : memref<3072xi32, #tpu.memory_space<vmem>>, vector<16xi32>,
      %slice3A_408 = vector.extract_strided_slice %add3A_168 {offsets = [9], sizes = [1], strides = [1]} : vector<16xi32> to vector<1xi32>
      %squeeze3A_409 = vector.extract %slice3A_408[0] : i32 from vector<1xi32>
      %broadcast_in_dim3A_410 = vector.broadcast %squeeze3A_409 : i32 to vector<16xi32>
      %add3A_411 = arith.constant 9 : i32
      %add3A_412 = arith.addi %multiple_of3A_151, %add3A_411 : i32
      %mul3A_413 = arith.constant 64 : i32
      %mul3A_414 = arith.muli %add3A_412, %mul3A_413 : i32
      %add3A_415 = arith.addi %broadcast_in_dim3A_410, %mul3A_8 : vector<16xi32>
      %add3A_416 = arith.constant 0 : i32
      %add3A_417 = arith.addi %mul3A_414, %add3A_416 : i32
      %swap3A_418 = arith.index_cast %add3A_417 : i32 to index
      %swap3A_419 = tpu.vector_load %arg8[%swap3A_418] {strides = array<i32>} : memref<3072xi32, #tpu.memory_space<vmem>>, vector<16xi32>,
      tpu.vector_store %arg8[%swap3A_418], %add3A_415 {strides = array<i32>} : memref<3072xi32, #tpu.memory_space<vmem>>, vector<16xi32>,
      %add3A_420 = arith.addi %broadcast_in_dim3A_410, %mul3A_14 : vector<16xi32>
      %add3A_421 = arith.constant 16 : i32
      %add3A_422 = arith.addi %mul3A_414, %add3A_421 : i32
      %swap3A_423 = arith.index_cast %add3A_422 : i32 to index
      %swap3A_424 = tpu.vector_load %arg8[%swap3A_423] {strides = array<i32>} : memref<3072xi32, #tpu.memory_space<vmem>>, vector<16xi32>,
      tpu.vector_store %arg8[%swap3A_423], %add3A_420 {strides = array<i32>} : memref<3072xi32, #tpu.memory_space<vmem>>, vector<16xi32>,
      %add3A_425 = arith.addi %broadcast_in_dim3A_410, %mul3A_20 : vector<16xi32>
      %add3A_426 = arith.constant 32 : i32
      %add3A_427 = arith.addi %mul3A_414, %add3A_426 : i32
      %swap3A_428 = arith.index_cast %add3A_427 : i32 to index
      %swap3A_429 = tpu.vector_load %arg8[%swap3A_428] {strides = array<i32>} : memref<3072xi32, #tpu.memory_space<vmem>>, vector<16xi32>,
      tpu.vector_store %arg8[%swap3A_428], %add3A_425 {strides = array<i32>} : memref<3072xi32, #tpu.memory_space<vmem>>, vector<16xi32>,
      %add3A_430 = arith.addi %broadcast_in_dim3A_410, %mul3A_26 : vector<16xi32>
      %add3A_431 = arith.constant 48 : i32
      %add3A_432 = arith.addi %mul3A_414, %add3A_431 : i32
      %swap3A_433 = arith.index_cast %add3A_432 : i32 to index
      %swap3A_434 = tpu.vector_load %arg8[%swap3A_433] {strides = array<i32>} : memref<3072xi32, #tpu.memory_space<vmem>>, vector<16xi32>,
      tpu.vector_store %arg8[%swap3A_433], %add3A_430 {strides = array<i32>} : memref<3072xi32, #tpu.memory_space<vmem>>, vector<16xi32>,
      %slice3A_435 = vector.extract_strided_slice %add3A_168 {offsets = [10], sizes = [1], strides = [1]} : vector<16xi32> to vector<1xi32>
      %squeeze3A_436 = vector.extract %slice3A_435[0] : i32 from vector<1xi32>
      %broadcast_in_dim3A_437 = vector.broadcast %squeeze3A_436 : i32 to vector<16xi32>
      %add3A_438 = arith.constant 10 : i32
      %add3A_439 = arith.addi %multiple_of3A_151, %add3A_438 : i32
      %mul3A_440 = arith.constant 64 : i32
      %mul3A_441 = arith.muli %add3A_439, %mul3A_440 : i32
      %add3A_442 = arith.addi %broadcast_in_dim3A_437, %mul3A_8 : vector<16xi32>
      %add3A_443 = arith.constant 0 : i32
      %add3A_444 = arith.addi %mul3A_441, %add3A_443 : i32
      %swap3A_445 = arith.index_cast %add3A_444 : i32 to index
      %swap3A_446 = tpu.vector_load %arg8[%swap3A_445] {strides = array<i32>} : memref<3072xi32, #tpu.memory_space<vmem>>, vector<16xi32>,
      tpu.vector_store %arg8[%swap3A_445], %add3A_442 {strides = array<i32>} : memref<3072xi32, #tpu.memory_space<vmem>>, vector<16xi32>,
      %add3A_447 = arith.addi %broadcast_in_dim3A_437, %mul3A_14 : vector<16xi32>
      %add3A_448 = arith.constant 16 : i32
      %add3A_449 = arith.addi %mul3A_441, %add3A_448 : i32
      %swap3A_450 = arith.index_cast %add3A_449 : i32 to index
      %swap3A_451 = tpu.vector_load %arg8[%swap3A_450] {strides = array<i32>} : memref<3072xi32, #tpu.memory_space<vmem>>, vector<16xi32>,
      tpu.vector_store %arg8[%swap3A_450], %add3A_447 {strides = array<i32>} : memref<3072xi32, #tpu.memory_space<vmem>>, vector<16xi32>,
      %add3A_452 = arith.addi %broadcast_in_dim3A_437, %mul3A_20 : vector<16xi32>
      %add3A_453 = arith.constant 32 : i32
      %add3A_454 = arith.addi %mul3A_441, %add3A_453 : i32
      %swap3A_455 = arith.index_cast %add3A_454 : i32 to index
      %swap3A_456 = tpu.vector_load %arg8[%swap3A_455] {strides = array<i32>} : memref<3072xi32, #tpu.memory_space<vmem>>, vector<16xi32>,
      tpu.vector_store %arg8[%swap3A_455], %add3A_452 {strides = array<i32>} : memref<3072xi32, #tpu.memory_space<vmem>>, vector<16xi32>,
      %add3A_457 = arith.addi %broadcast_in_dim3A_437, %mul3A_26 : vector<16xi32>
      %add3A_458 = arith.constant 48 : i32
      %add3A_459 = arith.addi %mul3A_441, %add3A_458 : i32
      %swap3A_460 = arith.index_cast %add3A_459 : i32 to index
      %swap3A_461 = tpu.vector_load %arg8[%swap3A_460] {strides = array<i32>} : memref<3072xi32, #tpu.memory_space<vmem>>, vector<16xi32>,
      tpu.vector_store %arg8[%swap3A_460], %add3A_457 {strides = array<i32>} : memref<3072xi32, #tpu.memory_space<vmem>>, vector<16xi32>,
      %slice3A_462 = vector.extract_strided_slice %add3A_168 {offsets = [11], sizes = [1], strides = [1]} : vector<16xi32> to vector<1xi32>
      %squeeze3A_463 = vector.extract %slice3A_462[0] : i32 from vector<1xi32>
      %broadcast_in_dim3A_464 = vector.broadcast %squeeze3A_463 : i32 to vector<16xi32>
      %add3A_465 = arith.constant 11 : i32
      %add3A_466 = arith.addi %multiple_of3A_151, %add3A_465 : i32
      %mul3A_467 = arith.constant 64 : i32
      %mul3A_468 = arith.muli %add3A_466, %mul3A_467 : i32
      %add3A_469 = arith.addi %broadcast_in_dim3A_464, %mul3A_8 : vector<16xi32>
      %add3A_470 = arith.constant 0 : i32
      %add3A_471 = arith.addi %mul3A_468, %add3A_470 : i32
      %swap3A_472 = arith.index_cast %add3A_471 : i32 to index
      %swap3A_473 = tpu.vector_load %arg8[%swap3A_472] {strides = array<i32>} : memref<3072xi32, #tpu.memory_space<vmem>>, vector<16xi32>,
      tpu.vector_store %arg8[%swap3A_472], %add3A_469 {strides = array<i32>} : memref<3072xi32, #tpu.memory_space<vmem>>, vector<16xi32>,
      %add3A_474 = arith.addi %broadcast_in_dim3A_464, %mul3A_14 : vector<16xi32>
      %add3A_475 = arith.constant 16 : i32
      %add3A_476 = arith.addi %mul3A_468, %add3A_475 : i32
      %swap3A_477 = arith.index_cast %add3A_476 : i32 to index
      %swap3A_478 = tpu.vector_load %arg8[%swap3A_477] {strides = array<i32>} : memref<3072xi32, #tpu.memory_space<vmem>>, vector<16xi32>,
      tpu.vector_store %arg8[%swap3A_477], %add3A_474 {strides = array<i32>} : memref<3072xi32, #tpu.memory_space<vmem>>, vector<16xi32>,
      %add3A_479 = arith.addi %broadcast_in_dim3A_464, %mul3A_20 : vector<16xi32>
      %add3A_480 = arith.constant 32 : i32
      %add3A_481 = arith.addi %mul3A_468, %add3A_480 : i32
      %swap3A_482 = arith.index_cast %add3A_481 : i32 to index
      %swap3A_483 = tpu.vector_load %arg8[%swap3A_482] {strides = array<i32>} : memref<3072xi32, #tpu.memory_space<vmem>>, vector<16xi32>,
      tpu.vector_store %arg8[%swap3A_482], %add3A_479 {strides = array<i32>} : memref<3072xi32, #tpu.memory_space<vmem>>, vector<16xi32>,
      %add3A_484 = arith.addi %broadcast_in_dim3A_464, %mul3A_26 : vector<16xi32>
      %add3A_485 = arith.constant 48 : i32
      %add3A_486 = arith.addi %mul3A_468, %add3A_485 : i32
      %swap3A_487 = arith.index_cast %add3A_486 : i32 to index
      %swap3A_488 = tpu.vector_load %arg8[%swap3A_487] {strides = array<i32>} : memref<3072xi32, #tpu.memory_space<vmem>>, vector<16xi32>,
      tpu.vector_store %arg8[%swap3A_487], %add3A_484 {strides = array<i32>} : memref<3072xi32, #tpu.memory_space<vmem>>, vector<16xi32>,
      %slice3A_489 = vector.extract_strided_slice %add3A_168 {offsets = [12], sizes = [1], strides = [1]} : vector<16xi32> to vector<1xi32>
      %squeeze3A_490 = vector.extract %slice3A_489[0] : i32 from vector<1xi32>
      %broadcast_in_dim3A_491 = vector.broadcast %squeeze3A_490 : i32 to vector<16xi32>
      %add3A_492 = arith.constant 12 : i32
      %add3A_493 = arith.addi %multiple_of3A_151, %add3A_492 : i32
      %mul3A_494 = arith.constant 64 : i32
      %mul3A_495 = arith.muli %add3A_493, %mul3A_494 : i32
      %add3A_496 = arith.addi %broadcast_in_dim3A_491, %mul3A_8 : vector<16xi32>
      %add3A_497 = arith.constant 0 : i32
      %add3A_498 = arith.addi %mul3A_495, %add3A_497 : i32
      %swap3A_499 = arith.index_cast %add3A_498 : i32 to index
      %swap3A_500 = tpu.vector_load %arg8[%swap3A_499] {strides = array<i32>} : memref<3072xi32, #tpu.memory_space<vmem>>, vector<16xi32>,
      tpu.vector_store %arg8[%swap3A_499], %add3A_496 {strides = array<i32>} : memref<3072xi32, #tpu.memory_space<vmem>>, vector<16xi32>,
      %add3A_501 = arith.addi %broadcast_in_dim3A_491, %mul3A_14 : vector<16xi32>
      %add3A_502 = arith.constant 16 : i32
      %add3A_503 = arith.addi %mul3A_495, %add3A_502 : i32
      %swap3A_504 = arith.index_cast %add3A_503 : i32 to index
      %swap3A_505 = tpu.vector_load %arg8[%swap3A_504] {strides = array<i32>} : memref<3072xi32, #tpu.memory_space<vmem>>, vector<16xi32>,
      tpu.vector_store %arg8[%swap3A_504], %add3A_501 {strides = array<i32>} : memref<3072xi32, #tpu.memory_space<vmem>>, vector<16xi32>,
      %add3A_506 = arith.addi %broadcast_in_dim3A_491, %mul3A_20 : vector<16xi32>
      %add3A_507 = arith.constant 32 : i32
      %add3A_508 = arith.addi %mul3A_495, %add3A_507 : i32
      %swap3A_509 = arith.index_cast %add3A_508 : i32 to index
      %swap3A_510 = tpu.vector_load %arg8[%swap3A_509] {strides = array<i32>} : memref<3072xi32, #tpu.memory_space<vmem>>, vector<16xi32>,
      tpu.vector_store %arg8[%swap3A_509], %add3A_506 {strides = array<i32>} : memref<3072xi32, #tpu.memory_space<vmem>>, vector<16xi32>,
      %add3A_511 = arith.addi %broadcast_in_dim3A_491, %mul3A_26 : vector<16xi32>
      %add3A_512 = arith.constant 48 : i32
      %add3A_513 = arith.addi %mul3A_495, %add3A_512 : i32
      %swap3A_514 = arith.index_cast %add3A_513 : i32 to index
      %swap3A_515 = tpu.vector_load %arg8[%swap3A_514] {strides = array<i32>} : memref<3072xi32, #tpu.memory_space<vmem>>, vector<16xi32>,
      tpu.vector_store %arg8[%swap3A_514], %add3A_511 {strides = array<i32>} : memref<3072xi32, #tpu.memory_space<vmem>>, vector<16xi32>,
      %slice3A_516 = vector.extract_strided_slice %add3A_168 {offsets = [13], sizes = [1], strides = [1]} : vector<16xi32> to vector<1xi32>
      %squeeze3A_517 = vector.extract %slice3A_516[0] : i32 from vector<1xi32>
      %broadcast_in_dim3A_518 = vector.broadcast %squeeze3A_517 : i32 to vector<16xi32>
      %add3A_519 = arith.constant 13 : i32
      %add3A_520 = arith.addi %multiple_of3A_151, %add3A_519 : i32
      %mul3A_521 = arith.constant 64 : i32
      %mul3A_522 = arith.muli %add3A_520, %mul3A_521 : i32
      %add3A_523 = arith.addi %broadcast_in_dim3A_518, %mul3A_8 : vector<16xi32>
      %add3A_524 = arith.constant 0 : i32
      %add3A_525 = arith.addi %mul3A_522, %add3A_524 : i32
      %swap3A_526 = arith.index_cast %add3A_525 : i32 to index
      %swap3A_527 = tpu.vector_load %arg8[%swap3A_526] {strides = array<i32>} : memref<3072xi32, #tpu.memory_space<vmem>>, vector<16xi32>,
      tpu.vector_store %arg8[%swap3A_526], %add3A_523 {strides = array<i32>} : memref<3072xi32, #tpu.memory_space<vmem>>, vector<16xi32>,
      %add3A_528 = arith.addi %broadcast_in_dim3A_518, %mul3A_14 : vector<16xi32>
      %add3A_529 = arith.constant 16 : i32
      %add3A_530 = arith.addi %mul3A_522, %add3A_529 : i32
      %swap3A_531 = arith.index_cast %add3A_530 : i32 to index
      %swap3A_532 = tpu.vector_load %arg8[%swap3A_531] {strides = array<i32>} : memref<3072xi32, #tpu.memory_space<vmem>>, vector<16xi32>,
      tpu.vector_store %arg8[%swap3A_531], %add3A_528 {strides = array<i32>} : memref<3072xi32, #tpu.memory_space<vmem>>, vector<16xi32>,
      %add3A_533 = arith.addi %broadcast_in_dim3A_518, %mul3A_20 : vector<16xi32>
      %add3A_534 = arith.constant 32 : i32
      %add3A_535 = arith.addi %mul3A_522, %add3A_534 : i32
      %swap3A_536 = arith.index_cast %add3A_535 : i32 to index
      %swap3A_537 = tpu.vector_load %arg8[%swap3A_536] {strides = array<i32>} : memref<3072xi32, #tpu.memory_space<vmem>>, vector<16xi32>,
      tpu.vector_store %arg8[%swap3A_536], %add3A_533 {strides = array<i32>} : memref<3072xi32, #tpu.memory_space<vmem>>, vector<16xi32>,
      %add3A_538 = arith.addi %broadcast_in_dim3A_518, %mul3A_26 : vector<16xi32>
      %add3A_539 = arith.constant 48 : i32
      %add3A_540 = arith.addi %mul3A_522, %add3A_539 : i32
      %swap3A_541 = arith.index_cast %add3A_540 : i32 to index
      %swap3A_542 = tpu.vector_load %arg8[%swap3A_541] {strides = array<i32>} : memref<3072xi32, #tpu.memory_space<vmem>>, vector<16xi32>,
      tpu.vector_store %arg8[%swap3A_541], %add3A_538 {strides = array<i32>} : memref<3072xi32, #tpu.memory_space<vmem>>, vector<16xi32>,
      %slice3A_543 = vector.extract_strided_slice %add3A_168 {offsets = [14], sizes = [1], strides = [1]} : vector<16xi32> to vector<1xi32>
      %squeeze3A_544 = vector.extract %slice3A_543[0] : i32 from vector<1xi32>
      %broadcast_in_dim3A_545 = vector.broadcast %squeeze3A_544 : i32 to vector<16xi32>
      %add3A_546 = arith.constant 14 : i32
      %add3A_547 = arith.addi %multiple_of3A_151, %add3A_546 : i32
      %mul3A_548 = arith.constant 64 : i32
      %mul3A_549 = arith.muli %add3A_547, %mul3A_548 : i32
      %add3A_550 = arith.addi %broadcast_in_dim3A_545, %mul3A_8 : vector<16xi32>
      %add3A_551 = arith.constant 0 : i32
      %add3A_552 = arith.addi %mul3A_549, %add3A_551 : i32
      %swap3A_553 = arith.index_cast %add3A_552 : i32 to index
      %swap3A_554 = tpu.vector_load %arg8[%swap3A_553] {strides = array<i32>} : memref<3072xi32, #tpu.memory_space<vmem>>, vector<16xi32>,
      tpu.vector_store %arg8[%swap3A_553], %add3A_550 {strides = array<i32>} : memref<3072xi32, #tpu.memory_space<vmem>>, vector<16xi32>,
      %add3A_555 = arith.addi %broadcast_in_dim3A_545, %mul3A_14 : vector<16xi32>
      %add3A_556 = arith.constant 16 : i32
      %add3A_557 = arith.addi %mul3A_549, %add3A_556 : i32
      %swap3A_558 = arith.index_cast %add3A_557 : i32 to index
      %swap3A_559 = tpu.vector_load %arg8[%swap3A_558] {strides = array<i32>} : memref<3072xi32, #tpu.memory_space<vmem>>, vector<16xi32>,
      tpu.vector_store %arg8[%swap3A_558], %add3A_555 {strides = array<i32>} : memref<3072xi32, #tpu.memory_space<vmem>>, vector<16xi32>,
      %add3A_560 = arith.addi %broadcast_in_dim3A_545, %mul3A_20 : vector<16xi32>
      %add3A_561 = arith.constant 32 : i32
      %add3A_562 = arith.addi %mul3A_549, %add3A_561 : i32
      %swap3A_563 = arith.index_cast %add3A_562 : i32 to index
      %swap3A_564 = tpu.vector_load %arg8[%swap3A_563] {strides = array<i32>} : memref<3072xi32, #tpu.memory_space<vmem>>, vector<16xi32>,
      tpu.vector_store %arg8[%swap3A_563], %add3A_560 {strides = array<i32>} : memref<3072xi32, #tpu.memory_space<vmem>>, vector<16xi32>,
      %add3A_565 = arith.addi %broadcast_in_dim3A_545, %mul3A_26 : vector<16xi32>
      %add3A_566 = arith.constant 48 : i32
      %add3A_567 = arith.addi %mul3A_549, %add3A_566 : i32
      %swap3A_568 = arith.index_cast %add3A_567 : i32 to index
      %swap3A_569 = tpu.vector_load %arg8[%swap3A_568] {strides = array<i32>} : memref<3072xi32, #tpu.memory_space<vmem>>, vector<16xi32>,
      tpu.vector_store %arg8[%swap3A_568], %add3A_565 {strides = array<i32>} : memref<3072xi32, #tpu.memory_space<vmem>>, vector<16xi32>,
      %slice3A_570 = vector.extract_strided_slice %add3A_168 {offsets = [15], sizes = [1], strides = [1]} : vector<16xi32> to vector<1xi32>
      %squeeze3A_571 = vector.extract %slice3A_570[0] : i32 from vector<1xi32>
      %broadcast_in_dim3A_572 = vector.broadcast %squeeze3A_571 : i32 to vector<16xi32>
      %add3A_573 = arith.constant 15 : i32
      %add3A_574 = arith.addi %multiple_of3A_151, %add3A_573 : i32
      %mul3A_575 = arith.constant 64 : i32
      %mul3A_576 = arith.muli %add3A_574, %mul3A_575 : i32
      %add3A_577 = arith.addi %broadcast_in_dim3A_572, %mul3A_8 : vector<16xi32>
      %add3A_578 = arith.constant 0 : i32
      %add3A_579 = arith.addi %mul3A_576, %add3A_578 : i32
      %swap3A_580 = arith.index_cast %add3A_579 : i32 to index
      %swap3A_581 = tpu.vector_load %arg8[%swap3A_580] {strides = array<i32>} : memref<3072xi32, #tpu.memory_space<vmem>>, vector<16xi32>,
      tpu.vector_store %arg8[%swap3A_580], %add3A_577 {strides = array<i32>} : memref<3072xi32, #tpu.memory_space<vmem>>, vector<16xi32>,
      %add3A_582 = arith.addi %broadcast_in_dim3A_572, %mul3A_14 : vector<16xi32>
      %add3A_583 = arith.constant 16 : i32
      %add3A_584 = arith.addi %mul3A_576, %add3A_583 : i32
      %swap3A_585 = arith.index_cast %add3A_584 : i32 to index
      %swap3A_586 = tpu.vector_load %arg8[%swap3A_585] {strides = array<i32>} : memref<3072xi32, #tpu.memory_space<vmem>>, vector<16xi32>,
      tpu.vector_store %arg8[%swap3A_585], %add3A_582 {strides = array<i32>} : memref<3072xi32, #tpu.memory_space<vmem>>, vector<16xi32>,
      %add3A_587 = arith.addi %broadcast_in_dim3A_572, %mul3A_20 : vector<16xi32>
      %add3A_588 = arith.constant 32 : i32
      %add3A_589 = arith.addi %mul3A_576, %add3A_588 : i32
      %swap3A_590 = arith.index_cast %add3A_589 : i32 to index
      %swap3A_591 = tpu.vector_load %arg8[%swap3A_590] {strides = array<i32>} : memref<3072xi32, #tpu.memory_space<vmem>>, vector<16xi32>,
      tpu.vector_store %arg8[%swap3A_590], %add3A_587 {strides = array<i32>} : memref<3072xi32, #tpu.memory_space<vmem>>, vector<16xi32>,
      %add3A_592 = arith.addi %broadcast_in_dim3A_572, %mul3A_26 : vector<16xi32>
      %add3A_593 = arith.constant 48 : i32
      %add3A_594 = arith.addi %mul3A_576, %add3A_593 : i32
      %swap3A_595 = arith.index_cast %add3A_594 : i32 to index
      %swap3A_596 = tpu.vector_load %arg8[%swap3A_595] {strides = array<i32>} : memref<3072xi32, #tpu.memory_space<vmem>>, vector<16xi32>,
      tpu.vector_store %arg8[%swap3A_595], %add3A_592 {strides = array<i32>} : memref<3072xi32, #tpu.memory_space<vmem>>, vector<16xi32>,
    }
    %scan3A_38 = arith.constant 3 : i32
    %dma_start3A_39 = arith.constant 0 : i32
    %dma_start3A_40 = tpu.memref_slice %arg2[%dma_start3A_39] : memref<75497472xf32, #tpu.memory_space<hbm>> -> memref<75497472xf32, #tpu.memory_space<hbm>>
    tpu.enqueue_indirect_dma source(%dma_start3A_40 : memref<75497472xf32, #tpu.memory_space<hbm>>) target(%arg10 : memref<3072xf32, #tpu.memory_space<vmem>>) offsets(%arg8 : memref<3072xi32, #tpu.memory_space<vmem>>) semaphore(%arg14 : memref<!tpu.dma_semaphore, #tpu.memory_space<semaphore_mem>>)
    %iota3A_41 = tpu.iota {dimensions = array<i32: 0>} : vector<16xi32>
    %add3A_42 = arith.constant 0 : i32
    %add3A_43 = vector.broadcast %add3A_42 : i32 to vector<16xi32>
    %add3A_44 = arith.addi %iota3A_41, %add3A_43 : vector<16xi32>
    %convert_element_type3A = arith.sitofp %add3A_44 : vector<16xi32> to vector<16xf32>
    %mul3A_45 = arith.constant 0.0317460336 : f32
    %mul3A_46 = vector.broadcast %mul3A_45 : f32 to vector<16xf32>
    %mul3A_47 = arith.mulf %convert_element_type3A, %mul3A_46 : vector<16xf32>
    %sub3A = arith.constant 1.000000e+00 : f32
    %sub3A_48 = vector.broadcast %sub3A : f32 to vector<16xf32>
    %sub3A_49 = arith.subf %mul3A_47, %sub3A_48 : vector<16xf32>
    %iota3A_50 = tpu.iota {dimensions = array<i32: 0>} : vector<16xi32>
    %add3A_51 = arith.constant 16 : i32
    %add3A_52 = vector.broadcast %add3A_51 : i32 to vector<16xi32>
    %add3A_53 = arith.addi %iota3A_50, %add3A_52 : vector<16xi32>
    %convert_element_type3A_54 = arith.sitofp %add3A_53 : vector<16xi32> to vector<16xf32>
    %mul3A_55 = arith.constant 0.0317460336 : f32
    %mul3A_56 = vector.broadcast %mul3A_55 : f32 to vector<16xf32>
    %mul3A_57 = arith.mulf %convert_element_type3A_54, %mul3A_56 : vector<16xf32>
    %sub3A_58 = arith.constant 1.000000e+00 : f32
    %sub3A_59 = vector.broadcast %sub3A_58 : f32 to vector<16xf32>
    %sub3A_60 = arith.subf %mul3A_57, %sub3A_59 : vector<16xf32>
    %iota3A_61 = tpu.iota {dimensions = array<i32: 0>} : vector<16xi32>
    %add3A_62 = arith.constant 32 : i32
    %add3A_63 = vector.broadcast %add3A_62 : i32 to vector<16xi32>
    %add3A_64 = arith.addi %iota3A_61, %add3A_63 : vector<16xi32>
    %convert_element_type3A_65 = arith.sitofp %add3A_64 : vector<16xi32> to vector<16xf32>
    %mul3A_66 = arith.constant 0.0317460336 : f32
    %mul3A_67 = vector.broadcast %mul3A_66 : f32 to vector<16xf32>
    %mul3A_68 = arith.mulf %convert_element_type3A_65, %mul3A_67 : vector<16xf32>
    %sub3A_69 = arith.constant 1.000000e+00 : f32
    %sub3A_70 = vector.broadcast %sub3A_69 : f32 to vector<16xf32>
    %sub3A_71 = arith.subf %mul3A_68, %sub3A_70 : vector<16xf32>
    %iota3A_72 = tpu.iota {dimensions = array<i32: 0>} : vector<16xi32>
    %add3A_73 = arith.constant 48 : i32
    %add3A_74 = vector.broadcast %add3A_73 : i32 to vector<16xi32>
    %add3A_75 = arith.addi %iota3A_72, %add3A_74 : vector<16xi32>
    %convert_element_type3A_76 = arith.sitofp %add3A_75 : vector<16xi32> to vector<16xf32>
    %mul3A_77 = arith.constant 0.0317460336 : f32
    %mul3A_78 = vector.broadcast %mul3A_77 : f32 to vector<16xf32>
    %mul3A_79 = arith.mulf %convert_element_type3A_76, %mul3A_78 : vector<16xf32>
    %sub3A_80 = arith.constant 1.000000e+00 : f32
    %sub3A_81 = vector.broadcast %sub3A_80 : f32 to vector<16xf32>
    %sub3A_82 = arith.subf %mul3A_79, %sub3A_81 : vector<16xf32>
    %dma_wait3A = arith.constant 0 : i32
    %dma_wait3A_83 = tpu.memref_slice %arg2[%dma_wait3A] : memref<75497472xf32, #tpu.memory_space<hbm>> -> memref<75497472xf32, #tpu.memory_space<hbm>>
    tpu.wait_indirect_dma semaphore(%arg13 : memref<!tpu.dma_semaphore, #tpu.memory_space<semaphore_mem>>) src(%dma_wait3A_83 : memref<75497472xf32, #tpu.memory_space<hbm>>) dst(%arg9 : memref<2048xf32, #tpu.memory_space<vmem>>)
    %scan3A_84 = arith.constant 0 : i32
    %scan3A_85 = arith.constant 0 : i32
    %scan3A_86 = arith.constant 2 : i32
    %scan3A_87 = arith.addi %scan3A_85, %scan3A_86 : i32
    %scan3A_88 = arith.constant 1 : i32
    scf.for %scan3A_144 = %scan3A_85 to %scan3A_87 step %scan3A_88  : i32 {
      %mul3A_145 = arith.constant 16 : i32
      %mul3A_146 = arith.muli %scan3A_144, %mul3A_145 : i32
      %multiple_of3A = tpu.assume_multiple %mul3A_146, 16 : i32
      %sub3A_147 = arith.constant 0 : i32
      %sub3A_148 = arith.subi %scan3A_144, %sub3A_147 : i32
      %mul3A_149 = arith.constant 16 : i32
      %mul3A_150 = arith.muli %sub3A_148, %mul3A_149 : i32
      %multiple_of3A_151 = tpu.assume_multiple %mul3A_150, 16 : i32
      %broadcast_in_dim3A = arith.constant 0.000000e+00 : f32
      %broadcast_in_dim3A_152 = vector.broadcast %broadcast_in_dim3A : f32 to vector<16xf32>
      %scan3A_153 = arith.constant 0 : i32
      %scan3A_154 = arith.constant 16 : i32
      %scan3A_155 = arith.addi %scan3A_153, %scan3A_154 : i32
      %scan3A_156 = arith.constant 1 : i32
      %scan3A_157 = scf.for %scan3A_160 = %scan3A_153 to %scan3A_155 step %scan3A_156 iter_args(%scan3A_161 = %broadcast_in_dim3A_152) -> (vector<16xf32>)  : i32 {
        %add3A_162 = arith.addi %multiple_of3A_151, %scan3A_160 : i32
        %mul3A_163 = arith.constant 64 : i32
        %mul3A_164 = arith.muli %add3A_162, %mul3A_163 : i32
        %add3A_165 = arith.constant 0 : i32
        %add3A_166 = arith.addi %mul3A_164, %add3A_165 : i32
        %get3A = arith.index_cast %add3A_166 : i32 to index
        %get3A_167 = tpu.vector_load %arg9[%get3A] {strides = array<i32>} : memref<2048xf32, #tpu.memory_space<vmem>>, vector<16xf32>,
        %add3A_168 = arith.constant 16 : i32
        %add3A_169 = arith.addi %mul3A_164, %add3A_168 : i32
        %get3A_170 = arith.index_cast %add3A_169 : i32 to index
        %get3A_171 = tpu.vector_load %arg9[%get3A_170] {strides = array<i32>} : memref<2048xf32, #tpu.memory_space<vmem>>, vector<16xf32>,
        %add3A_172 = arith.constant 32 : i32
        %add3A_173 = arith.addi %mul3A_164, %add3A_172 : i32
        %get3A_174 = arith.index_cast %add3A_173 : i32 to index
        %get3A_175 = tpu.vector_load %arg9[%get3A_174] {strides = array<i32>} : memref<2048xf32, #tpu.memory_space<vmem>>, vector<16xf32>,
        %add3A_176 = arith.constant 48 : i32
        %add3A_177 = arith.addi %mul3A_164, %add3A_176 : i32
        %get3A_178 = arith.index_cast %add3A_177 : i32 to index
        %get3A_179 = tpu.vector_load %arg9[%get3A_178] {strides = array<i32>} : memref<2048xf32, #tpu.memory_space<vmem>>, vector<16xf32>,
        %exp3A = math.exp %get3A_167 : vector<16xf32>
        %exp3A_180 = math.exp %get3A_171 : vector<16xf32>
        %exp3A_181 = math.exp %get3A_175 : vector<16xf32>
        %exp3A_182 = math.exp %get3A_179 : vector<16xf32>
        %add3A_183 = arith.addf %exp3A, %exp3A_180 : vector<16xf32>
        %add3A_184 = arith.addf %add3A_183, %exp3A_181 : vector<16xf32>
        %add3A_185 = arith.addf %add3A_184, %exp3A_182 : vector<16xf32>
        %reduce_sum3A = arith.constant true
        %reduce_sum3A_186 = vector.broadcast %reduce_sum3A : i1 to vector<16xi1>
        %reduce_sum3A_187 = tpu.scan <sum>, %add3A_185 masked %reduce_sum3A_186 : vector<16xf32>, vector<16xi1> -> vector<16xf32>
        %reduce_sum3A_188 = vector.extract %reduce_sum3A_187[15] : f32 from vector<16xf32>
        %mul3A_189 = arith.mulf %exp3A, %sub3A_49 : vector<16xf32>
        %mul3A_190 = arith.mulf %exp3A_180, %sub3A_60 : vector<16xf32>
        %add3A_191 = arith.addf %mul3A_189, %mul3A_190 : vector<16xf32>
        %mul3A_192 = arith.mulf %exp3A_181, %sub3A_71 : vector<16xf32>
        %add3A_193 = arith.addf %add3A_191, %mul3A_192 : vector<16xf32>
        %mul3A_194 = arith.mulf %exp3A_182, %sub3A_82 : vector<16xf32>
        %add3A_195 = arith.addf %add3A_193, %mul3A_194 : vector<16xf32>
        %reduce_sum3A_196 = arith.constant true
        %reduce_sum3A_197 = vector.broadcast %reduce_sum3A_196 : i1 to vector<16xi1>
        %reduce_sum3A_198 = tpu.scan <sum>, %add3A_195 masked %reduce_sum3A_197 : vector<16xf32>, vector<16xi1> -> vector<16xf32>
        %reduce_sum3A_199 = vector.extract %reduce_sum3A_198[15] : f32 from vector<16xf32>
        %broadcast_in_dim3A_200 = vector.broadcast %reduce_sum3A_188 : f32 to vector<16xf32>
        %div3A = arith.constant 1.000000e+00 : f32
        %div3A_201 = vector.broadcast %div3A : f32 to vector<16xf32>
        %div3A_202 = arith.divf %div3A_201, %broadcast_in_dim3A_200 : vector<16xf32>
        %mul3A_203 = arith.mulf %exp3A, %div3A_202 : vector<16xf32>
        %add3A_204 = arith.addi %multiple_of3A, %scan3A_160 : i32
        %swap3A_205 = arith.index_cast %add3A_204 : i32 to index
        %swap3A_206 = arith.constant 0 : index
        %swap3A_207 = tpu.vector_load %arg11[%swap3A_205, %swap3A_206] {strides = array<i32>} : memref<80x64xf32, #tpu.memory_space<vmem>>, vector<16xf32>,
        tpu.vector_store %arg11[%swap3A_205, %swap3A_206], %mul3A_203 {strides = array<i32>} : memref<80x64xf32, #tpu.memory_space<vmem>>, vector<16xf32>,
        %mul3A_208 = arith.mulf %exp3A_180, %div3A_202 : vector<16xf32>
        %add3A_209 = arith.addi %multiple_of3A, %scan3A_160 : i32
        %swap3A_210 = arith.index_cast %add3A_209 : i32 to index
        %swap3A_211 = arith.constant 16 : index
        %swap3A_212 = tpu.vector_load %arg11[%swap3A_210, %swap3A_211] {strides = array<i32>} : memref<80x64xf32, #tpu.memory_space<vmem>>, vector<16xf32>,
        tpu.vector_store %arg11[%swap3A_210, %swap3A_211], %mul3A_208 {strides = array<i32>} : memref<80x64xf32, #tpu.memory_space<vmem>>, vector<16xf32>,
        %mul3A_213 = arith.mulf %exp3A_181, %div3A_202 : vector<16xf32>
        %add3A_214 = arith.addi %multiple_of3A, %scan3A_160 : i32
        %swap3A_215 = arith.index_cast %add3A_214 : i32 to index
        %swap3A_216 = arith.constant 32 : index
        %swap3A_217 = tpu.vector_load %arg11[%swap3A_215, %swap3A_216] {strides = array<i32>} : memref<80x64xf32, #tpu.memory_space<vmem>>, vector<16xf32>,
        tpu.vector_store %arg11[%swap3A_215, %swap3A_216], %mul3A_213 {strides = array<i32>} : memref<80x64xf32, #tpu.memory_space<vmem>>, vector<16xf32>,
        %mul3A_218 = arith.mulf %exp3A_182, %div3A_202 : vector<16xf32>
        %add3A_219 = arith.addi %multiple_of3A, %scan3A_160 : i32
        %swap3A_220 = arith.index_cast %add3A_219 : i32 to index
        %swap3A_221 = arith.constant 48 : index
        %swap3A_222 = tpu.vector_load %arg11[%swap3A_220, %swap3A_221] {strides = array<i32>} : memref<80x64xf32, #tpu.memory_space<vmem>>, vector<16xf32>,
        tpu.vector_store %arg11[%swap3A_220, %swap3A_221], %mul3A_218 {strides = array<i32>} : memref<80x64xf32, #tpu.memory_space<vmem>>, vector<16xf32>,
        %eq3A = vector.broadcast %scan3A_160 : i32 to vector<16xi32>
        %eq3A_223 = arith.cmpi eq, %iota3A, %eq3A : vector<16xi32>
        %broadcast_in_dim3A_224 = vector.broadcast %reduce_sum3A_199 : f32 to vector<16xf32>
        %mul3A_225 = arith.mulf %broadcast_in_dim3A_224, %div3A_202 : vector<16xf32>
        %select_n3A = arith.select %eq3A_223, %mul3A_225, %scan3A_161 : vector<16xi1>, vector<16xf32>
        scf.yield %select_n3A : vector<16xf32>
      }
      %scan3A_158 = arith.constant 16 : i32
      %swap3A = arith.index_cast %multiple_of3A : i32 to index
      %swap3A_159 = tpu.vector_load %arg12[%swap3A] {strides = array<i32>} : memref<80xf32, #tpu.memory_space<vmem>>, vector<16xf32>,
      tpu.vector_store %arg12[%swap3A], %scan3A_157 {strides = array<i32>} : memref<80xf32, #tpu.memory_space<vmem>>, vector<16xf32>,
    }
    %scan3A_89 = arith.constant 2 : i32
    %mul3A_90 = arith.constant 68 : i32
    %mul3A_91 = arith.muli %add3A, %mul3A_90 : i32
    %dma_start3A_92 = arith.constant 0 : i32
    %dma_start3A_93 = arith.constant 0 : i32
    %dma_start3A_94 = tpu.memref_slice %arg11[%dma_start3A_92, %dma_start3A_93] : memref<80x64xf32, #tpu.memory_space<vmem>> -> memref<32x64xf32, #tpu.memory_space<vmem>>
    %dma_start3A_95 = arith.constant 0 : i32
    %dma_start3A_96 = tpu.memref_slice %arg5[%mul3A_91, %dma_start3A_95] : memref<2176x64xf32, #tpu.memory_space<hbm>> -> memref<32x64xf32, #tpu.memory_space<hbm>>
    %dma_start3A_97 = arith.constant 0 : i32
    %dma_start3A_98 = tpu.memref_slice %arg5[%mul3A_91, %dma_start3A_97] : memref<2176x64xf32, #tpu.memory_space<hbm>> -> memref<32x64xf32, #tpu.memory_space<hbm>>
    %dma_start3A_99 = arith.constant 0 : i32
    %dma_start3A_100 = arith.constant 0 : i32
    %dma_start3A_101 = tpu.memref_slice %arg11[%dma_start3A_99, %dma_start3A_100] : memref<80x64xf32, #tpu.memory_space<vmem>> -> memref<32x64xf32, #tpu.memory_space<vmem>>
    tpu.enqueue_dma source(%dma_start3A_101 : memref<32x64xf32, #tpu.memory_space<vmem>>) target(%dma_start3A_98 : memref<32x64xf32, #tpu.memory_space<hbm>>) target_semaphore(%arg15 : memref<!tpu.dma_semaphore, #tpu.memory_space<semaphore_mem>>)
    %dma_wait3A_102 = arith.constant 0 : i32
    %dma_wait3A_103 = tpu.memref_slice %arg2[%dma_wait3A_102] : memref<75497472xf32, #tpu.memory_space<hbm>> -> memref<75497472xf32, #tpu.memory_space<hbm>>
    tpu.wait_indirect_dma semaphore(%arg14 : memref<!tpu.dma_semaphore, #tpu.memory_space<semaphore_mem>>) src(%dma_wait3A_103 : memref<75497472xf32, #tpu.memory_space<hbm>>) dst(%arg10 : memref<3072xf32, #tpu.memory_space<vmem>>)
    %scan3A_104 = arith.constant 0 : i32
    %scan3A_105 = arith.constant 2 : i32
    %scan3A_106 = arith.constant 3 : i32
    %scan3A_107 = arith.addi %scan3A_105, %scan3A_106 : i32
    %scan3A_108 = arith.constant 1 : i32
    scf.for %scan3A_144 = %scan3A_105 to %scan3A_107 step %scan3A_108  : i32 {
      %mul3A_145 = arith.constant 16 : i32
      %mul3A_146 = arith.muli %scan3A_144, %mul3A_145 : i32
      %multiple_of3A = tpu.assume_multiple %mul3A_146, 16 : i32
      %sub3A_147 = arith.constant 2 : i32
      %sub3A_148 = arith.subi %scan3A_144, %sub3A_147 : i32
      %mul3A_149 = arith.constant 16 : i32
      %mul3A_150 = arith.muli %sub3A_148, %mul3A_149 : i32
      %multiple_of3A_151 = tpu.assume_multiple %mul3A_150, 16 : i32
      %broadcast_in_dim3A = arith.constant 0.000000e+00 : f32
      %broadcast_in_dim3A_152 = vector.broadcast %broadcast_in_dim3A : f32 to vector<16xf32>
      %scan3A_153 = arith.constant 0 : i32
      %scan3A_154 = arith.constant 16 : i32
      %scan3A_155 = arith.addi %scan3A_153, %scan3A_154 : i32
      %scan3A_156 = arith.constant 1 : i32
      %scan3A_157 = scf.for %scan3A_160 = %scan3A_153 to %scan3A_155 step %scan3A_156 iter_args(%scan3A_161 = %broadcast_in_dim3A_152) -> (vector<16xf32>)  : i32 {
        %add3A_162 = arith.addi %multiple_of3A_151, %scan3A_160 : i32
        %mul3A_163 = arith.constant 64 : i32
        %mul3A_164 = arith.muli %add3A_162, %mul3A_163 : i32
        %add3A_165 = arith.constant 0 : i32
        %add3A_166 = arith.addi %mul3A_164, %add3A_165 : i32
        %get3A = arith.index_cast %add3A_166 : i32 to index
        %get3A_167 = tpu.vector_load %arg10[%get3A] {strides = array<i32>} : memref<3072xf32, #tpu.memory_space<vmem>>, vector<16xf32>,
        %add3A_168 = arith.constant 16 : i32
        %add3A_169 = arith.addi %mul3A_164, %add3A_168 : i32
        %get3A_170 = arith.index_cast %add3A_169 : i32 to index
        %get3A_171 = tpu.vector_load %arg10[%get3A_170] {strides = array<i32>} : memref<3072xf32, #tpu.memory_space<vmem>>, vector<16xf32>,
        %add3A_172 = arith.constant 32 : i32
        %add3A_173 = arith.addi %mul3A_164, %add3A_172 : i32
        %get3A_174 = arith.index_cast %add3A_173 : i32 to index
        %get3A_175 = tpu.vector_load %arg10[%get3A_174] {strides = array<i32>} : memref<3072xf32, #tpu.memory_space<vmem>>, vector<16xf32>,
        %add3A_176 = arith.constant 48 : i32
        %add3A_177 = arith.addi %mul3A_164, %add3A_176 : i32
        %get3A_178 = arith.index_cast %add3A_177 : i32 to index
        %get3A_179 = tpu.vector_load %arg10[%get3A_178] {strides = array<i32>} : memref<3072xf32, #tpu.memory_space<vmem>>, vector<16xf32>,
        %exp3A = math.exp %get3A_167 : vector<16xf32>
        %exp3A_180 = math.exp %get3A_171 : vector<16xf32>
        %exp3A_181 = math.exp %get3A_175 : vector<16xf32>
        %exp3A_182 = math.exp %get3A_179 : vector<16xf32>
        %add3A_183 = arith.addf %exp3A, %exp3A_180 : vector<16xf32>
        %add3A_184 = arith.addf %add3A_183, %exp3A_181 : vector<16xf32>
        %add3A_185 = arith.addf %add3A_184, %exp3A_182 : vector<16xf32>
        %reduce_sum3A = arith.constant true
        %reduce_sum3A_186 = vector.broadcast %reduce_sum3A : i1 to vector<16xi1>
        %reduce_sum3A_187 = tpu.scan <sum>, %add3A_185 masked %reduce_sum3A_186 : vector<16xf32>, vector<16xi1> -> vector<16xf32>
        %reduce_sum3A_188 = vector.extract %reduce_sum3A_187[15] : f32 from vector<16xf32>
        %mul3A_189 = arith.mulf %exp3A, %sub3A_49 : vector<16xf32>
        %mul3A_190 = arith.mulf %exp3A_180, %sub3A_60 : vector<16xf32>
        %add3A_191 = arith.addf %mul3A_189, %mul3A_190 : vector<16xf32>
        %mul3A_192 = arith.mulf %exp3A_181, %sub3A_71 : vector<16xf32>
        %add3A_193 = arith.addf %add3A_191, %mul3A_192 : vector<16xf32>
        %mul3A_194 = arith.mulf %exp3A_182, %sub3A_82 : vector<16xf32>
        %add3A_195 = arith.addf %add3A_193, %mul3A_194 : vector<16xf32>
        %reduce_sum3A_196 = arith.constant true
        %reduce_sum3A_197 = vector.broadcast %reduce_sum3A_196 : i1 to vector<16xi1>
        %reduce_sum3A_198 = tpu.scan <sum>, %add3A_195 masked %reduce_sum3A_197 : vector<16xf32>, vector<16xi1> -> vector<16xf32>
        %reduce_sum3A_199 = vector.extract %reduce_sum3A_198[15] : f32 from vector<16xf32>
        %broadcast_in_dim3A_200 = vector.broadcast %reduce_sum3A_188 : f32 to vector<16xf32>
        %div3A = arith.constant 1.000000e+00 : f32
        %div3A_201 = vector.broadcast %div3A : f32 to vector<16xf32>
        %div3A_202 = arith.divf %div3A_201, %broadcast_in_dim3A_200 : vector<16xf32>
        %mul3A_203 = arith.mulf %exp3A, %div3A_202 : vector<16xf32>
        %add3A_204 = arith.addi %multiple_of3A, %scan3A_160 : i32
        %swap3A_205 = arith.index_cast %add3A_204 : i32 to index
        %swap3A_206 = arith.constant 0 : index
        %swap3A_207 = tpu.vector_load %arg11[%swap3A_205, %swap3A_206] {strides = array<i32>} : memref<80x64xf32, #tpu.memory_space<vmem>>, vector<16xf32>,
        tpu.vector_store %arg11[%swap3A_205, %swap3A_206], %mul3A_203 {strides = array<i32>} : memref<80x64xf32, #tpu.memory_space<vmem>>, vector<16xf32>,
        %mul3A_208 = arith.mulf %exp3A_180, %div3A_202 : vector<16xf32>
        %add3A_209 = arith.addi %multiple_of3A, %scan3A_160 : i32
        %swap3A_210 = arith.index_cast %add3A_209 : i32 to index
        %swap3A_211 = arith.constant 16 : index
        %swap3A_212 = tpu.vector_load %arg11[%swap3A_210, %swap3A_211] {strides = array<i32>} : memref<80x64xf32, #tpu.memory_space<vmem>>, vector<16xf32>,
        tpu.vector_store %arg11[%swap3A_210, %swap3A_211], %mul3A_208 {strides = array<i32>} : memref<80x64xf32, #tpu.memory_space<vmem>>, vector<16xf32>,
        %mul3A_213 = arith.mulf %exp3A_181, %div3A_202 : vector<16xf32>
        %add3A_214 = arith.addi %multiple_of3A, %scan3A_160 : i32
        %swap3A_215 = arith.index_cast %add3A_214 : i32 to index
        %swap3A_216 = arith.constant 32 : index
        %swap3A_217 = tpu.vector_load %arg11[%swap3A_215, %swap3A_216] {strides = array<i32>} : memref<80x64xf32, #tpu.memory_space<vmem>>, vector<16xf32>,
        tpu.vector_store %arg11[%swap3A_215, %swap3A_216], %mul3A_213 {strides = array<i32>} : memref<80x64xf32, #tpu.memory_space<vmem>>, vector<16xf32>,
        %mul3A_218 = arith.mulf %exp3A_182, %div3A_202 : vector<16xf32>
        %add3A_219 = arith.addi %multiple_of3A, %scan3A_160 : i32
        %swap3A_220 = arith.index_cast %add3A_219 : i32 to index
        %swap3A_221 = arith.constant 48 : index
        %swap3A_222 = tpu.vector_load %arg11[%swap3A_220, %swap3A_221] {strides = array<i32>} : memref<80x64xf32, #tpu.memory_space<vmem>>, vector<16xf32>,
        tpu.vector_store %arg11[%swap3A_220, %swap3A_221], %mul3A_218 {strides = array<i32>} : memref<80x64xf32, #tpu.memory_space<vmem>>, vector<16xf32>,
        %eq3A = vector.broadcast %scan3A_160 : i32 to vector<16xi32>
        %eq3A_223 = arith.cmpi eq, %iota3A, %eq3A : vector<16xi32>
        %broadcast_in_dim3A_224 = vector.broadcast %reduce_sum3A_199 : f32 to vector<16xf32>
        %mul3A_225 = arith.mulf %broadcast_in_dim3A_224, %div3A_202 : vector<16xf32>
        %select_n3A = arith.select %eq3A_223, %mul3A_225, %scan3A_161 : vector<16xi1>, vector<16xf32>
        scf.yield %select_n3A : vector<16xf32>
      }
      %scan3A_158 = arith.constant 16 : i32
      %swap3A = arith.index_cast %multiple_of3A : i32 to index
      %swap3A_159 = tpu.vector_load %arg12[%swap3A] {strides = array<i32>} : memref<80xf32, #tpu.memory_space<vmem>>, vector<16xf32>,
      tpu.vector_store %arg12[%swap3A], %scan3A_157 {strides = array<i32>} : memref<80xf32, #tpu.memory_space<vmem>>, vector<16xf32>,
    }
    %scan3A_109 = arith.constant 3 : i32
    %mul3A_110 = arith.constant 68 : i32
    %mul3A_111 = arith.muli %add3A, %mul3A_110 : i32
    %add3A_112 = arith.constant 32 : i32
    %add3A_113 = arith.addi %mul3A_111, %add3A_112 : i32
    %dma_start3A_114 = arith.constant 32 : i32
    %dma_start3A_115 = arith.constant 0 : i32
    %dma_start3A_116 = tpu.memref_slice %arg11[%dma_start3A_114, %dma_start3A_115] : memref<80x64xf32, #tpu.memory_space<vmem>> -> memref<36x64xf32, #tpu.memory_space<vmem>>
    %dma_start3A_117 = arith.constant 0 : i32
    %dma_start3A_118 = tpu.memref_slice %arg5[%add3A_113, %dma_start3A_117] : memref<2176x64xf32, #tpu.memory_space<hbm>> -> memref<36x64xf32, #tpu.memory_space<hbm>>
    %dma_start3A_119 = arith.constant 0 : i32
    %dma_start3A_120 = tpu.memref_slice %arg5[%add3A_113, %dma_start3A_119] : memref<2176x64xf32, #tpu.memory_space<hbm>> -> memref<36x64xf32, #tpu.memory_space<hbm>>
    %dma_start3A_121 = arith.constant 32 : i32
    %dma_start3A_122 = arith.constant 0 : i32
    %dma_start3A_123 = tpu.memref_slice %arg11[%dma_start3A_121, %dma_start3A_122] : memref<80x64xf32, #tpu.memory_space<vmem>> -> memref<36x64xf32, #tpu.memory_space<vmem>>
    tpu.enqueue_dma source(%dma_start3A_123 : memref<36x64xf32, #tpu.memory_space<vmem>>) target(%dma_start3A_120 : memref<36x64xf32, #tpu.memory_space<hbm>>) target_semaphore(%arg15 : memref<!tpu.dma_semaphore, #tpu.memory_space<semaphore_mem>>)
    "tpu.region"() ({
      %run_scoped3A = tpu.sem_alloc : memref<!tpu.dma_semaphore, #tpu.memory_space<semaphore_mem>>
      %dma_start3A_144 = arith.constant 0 : i32
      %dma_start3A_145 = tpu.memref_slice %arg12[%dma_start3A_144] : memref<80xf32, #tpu.memory_space<vmem>> -> memref<68xf32, #tpu.memory_space<vmem>>
      %dma_start3A_146 = arith.constant 0 : i32
      %dma_start3A_147 = tpu.memref_slice %arg4[%add3A, %dma_start3A_146] : memref<32x68xf32, #tpu.memory_space<hbm>> -> memref<1x68xf32, #tpu.memory_space<hbm>>
      %dma_start3A_148 = tpu.memref_squeeze %dma_start3A_147 : memref<1x68xf32, #tpu.memory_space<hbm>> -> memref<68xf32, #tpu.memory_space<hbm>>
      %dma_start3A_149 = arith.constant 0 : i32
      %dma_start3A_150 = tpu.memref_slice %arg4[%add3A, %dma_start3A_149] : memref<32x68xf32, #tpu.memory_space<hbm>> -> memref<1x68xf32, #tpu.memory_space<hbm>>
      %dma_start3A_151 = tpu.memref_squeeze %dma_start3A_150 : memref<1x68xf32, #tpu.memory_space<hbm>> -> memref<68xf32, #tpu.memory_space<hbm>>
      %dma_start3A_152 = arith.constant 0 : i32
      %dma_start3A_153 = tpu.memref_slice %arg12[%dma_start3A_152] : memref<80xf32, #tpu.memory_space<vmem>> -> memref<68xf32, #tpu.memory_space<vmem>>
      tpu.enqueue_dma source(%dma_start3A_153 : memref<68xf32, #tpu.memory_space<vmem>>) target(%dma_start3A_151 : memref<68xf32, #tpu.memory_space<hbm>>) target_semaphore(%run_scoped3A : memref<!tpu.dma_semaphore, #tpu.memory_space<semaphore_mem>>)
      %dma_wait3A_154 = arith.constant 0 : i32
      %dma_wait3A_155 = tpu.memref_slice %arg12[%dma_wait3A_154] : memref<80xf32, #tpu.memory_space<vmem>> -> memref<68xf32, #tpu.memory_space<vmem>>
      %dma_wait3A_156 = arith.constant 0 : i32
      %dma_wait3A_157 = tpu.memref_slice %arg4[%add3A, %dma_wait3A_156] : memref<32x68xf32, #tpu.memory_space<hbm>> -> memref<1x68xf32, #tpu.memory_space<hbm>>
      %dma_wait3A_158 = tpu.memref_squeeze %dma_wait3A_157 : memref<1x68xf32, #tpu.memory_space<hbm>> -> memref<68xf32, #tpu.memory_space<hbm>>
      %dma_wait3A_159 = arith.constant 0 : i32
      %dma_wait3A_160 = tpu.memref_slice %arg4[%add3A, %dma_wait3A_159] : memref<32x68xf32, #tpu.memory_space<hbm>> -> memref<1x68xf32, #tpu.memory_space<hbm>>
      %dma_wait3A_161 = tpu.memref_squeeze %dma_wait3A_160 : memref<1x68xf32, #tpu.memory_space<hbm>> -> memref<68xf32, #tpu.memory_space<hbm>>
      %dma_wait3A_162 = arith.constant 0 : i32
      %dma_wait3A_163 = tpu.memref_slice %arg12[%dma_wait3A_162] : memref<80xf32, #tpu.memory_space<vmem>> -> memref<68xf32, #tpu.memory_space<vmem>>
      tpu.wait_dma2 semaphore(%run_scoped3A : memref<!tpu.dma_semaphore, #tpu.memory_space<semaphore_mem>>) src(%dma_wait3A_163 : memref<68xf32, #tpu.memory_space<vmem>>) dst(%dma_wait3A_161 : memref<68xf32, #tpu.memory_space<hbm>>)
      tpu.yield
    }) : () -> ()
    %dma_wait3A_124 = arith.constant 0 : i32
    %dma_wait3A_125 = arith.constant 0 : i32
    %dma_wait3A_126 = tpu.memref_slice %arg11[%dma_wait3A_124, %dma_wait3A_125] : memref<80x64xf32, #tpu.memory_space<vmem>> -> memref<32x64xf32, #tpu.memory_space<vmem>>
    %dma_wait3A_127 = arith.constant 0 : i32
    %dma_wait3A_128 = tpu.memref_slice %arg5[%mul3A_91, %dma_wait3A_127] : memref<2176x64xf32, #tpu.memory_space<hbm>> -> memref<32x64xf32, #tpu.memory_space<hbm>>
    %dma_wait3A_129 = arith.constant 0 : i32
    %dma_wait3A_130 = tpu.memref_slice %arg5[%mul3A_91, %dma_wait3A_129] : memref<2176x64xf32, #tpu.memory_space<hbm>> -> memref<32x64xf32, #tpu.memory_space<hbm>>
    %dma_wait3A_131 = arith.constant 0 : i32
    %dma_wait3A_132 = arith.constant 0 : i32
    %dma_wait3A_133 = tpu.memref_slice %arg11[%dma_wait3A_131, %dma_wait3A_132] : memref<80x64xf32, #tpu.memory_space<vmem>> -> memref<32x64xf32, #tpu.memory_space<vmem>>
    tpu.wait_dma2 semaphore(%arg15 : memref<!tpu.dma_semaphore, #tpu.memory_space<semaphore_mem>>) src(%dma_wait3A_133 : memref<32x64xf32, #tpu.memory_space<vmem>>) dst(%dma_wait3A_130 : memref<32x64xf32, #tpu.memory_space<hbm>>)
    %dma_wait3A_134 = arith.constant 32 : i32
    %dma_wait3A_135 = arith.constant 0 : i32
    %dma_wait3A_136 = tpu.memref_slice %arg11[%dma_wait3A_134, %dma_wait3A_135] : memref<80x64xf32, #tpu.memory_space<vmem>> -> memref<36x64xf32, #tpu.memory_space<vmem>>
    %dma_wait3A_137 = arith.constant 0 : i32
    %dma_wait3A_138 = tpu.memref_slice %arg5[%add3A_113, %dma_wait3A_137] : memref<2176x64xf32, #tpu.memory_space<hbm>> -> memref<36x64xf32, #tpu.memory_space<hbm>>
    %dma_wait3A_139 = arith.constant 0 : i32
    %dma_wait3A_140 = tpu.memref_slice %arg5[%add3A_113, %dma_wait3A_139] : memref<2176x64xf32, #tpu.memory_space<hbm>> -> memref<36x64xf32, #tpu.memory_space<hbm>>
    %dma_wait3A_141 = arith.constant 32 : i32
    %dma_wait3A_142 = arith.constant 0 : i32
    %dma_wait3A_143 = tpu.memref_slice %arg11[%dma_wait3A_141, %dma_wait3A_142] : memref<80x64xf32, #tpu.memory_space<vmem>> -> memref<36x64xf32, #tpu.memory_space<vmem>>
    tpu.wait_dma2 semaphore(%arg15 : memref<!tpu.dma_semaphore, #tpu.memory_space<semaphore_mem>>) src(%dma_wait3A_143 : memref<36x64xf32, #tpu.memory_space<vmem>>) dst(%dma_wait3A_140 : memref<36x64xf32, #tpu.memory_space<hbm>>)
    return
  }
}

</mosaic_0001>

<sc_bundles>
// kernel: _sc_extract.3.cloned.1.call-start
scs
__scs_entry_jumppad:
0x0: {  	(pc) =	sbr.rel $0x88, $3  }
0x1: {  	(tag) =	ssettag $0x0;
	lr =	simm.s32 $0x1  }
0x2: {  	[smem:$0x3F9F] =	sst lr;
	_ =	strace $0xD0000000  }
0x3: {  	_ = 	snop  }
0x4: {  	_ = 	snop  }
0x5: {  	_ = 	snop  }
0x6: {  	_ = 	snop  }
0x7: {  	_ = 	snop  }
__scs_overlays_trampoline_lowered:
0x8: {  	[smem:$0x3FAE] =	sst s0  }
0x9: {  	[smem:$0x3FAF] =	sst s1  }
0xa: {  	[smem:$0x3FB0] =	sst s2  }
0xb: {  	[smem:$0x3FB1] =	sst s3  }
0xc: {  	[smem:$0x3FB2] =	sst s4  }
0xd: {  	[smem:$0x3FB3] =	sst s5  }
0xe: {  	[smem:$0x3FB4] =	sst s6  }
0xf: {  	[smem:$0x3FB5] =	sst s7  }
0x10: {  	[smem:$0x3FB6] =	sst s8  }
0x11: {  	[smem:$0x3FB7] =	sst s9;
	s0 =	simm.s32 @!p0 $0x0  }
0x12: {  	s1 =	sld [smem:$0x3F9D];
	s0 =	simm.s32 @p0 $0x1  }
0x13: {  	[smem:$0x3FB8] =	sst s0;
	s0 =	simm.s32 @!p1 $0x0  }
0x14: {  	s2 =	sld [smem:$0x3F9C];
	s0 =	simm.s32 @p1 $0x1  }
0x15: {  	[smem:$0x3FB9] =	sst s0;
	s0 =	simm.s32 @!p2 $0x0  }
0x16: {  	s3 =	sld [smem:$0x3FDB];
	s0 =	simm.s32 @p2 $0x1  }
0x17: {  	s4 =	simm.s32 $0x1BF5;
	[smem:$0x3FBB] =	sst s0  }
0x18: {  	s0 =	sld [smem:$0x3F9E];
	_ =	swait.ge [sflag:s4], $0x0  }
0x19: {  	s7 =	sld [smem:$0x3F9F]  }
0x1a: {  	s8 =	sadd.s32 $0xFFFFE003, lr  }
0x1b: {  	s9 =	sadd.s32 $0xFFFFFEF7, lr;
	s5 =	simm.s32 $0xFFFFFFFF;
	p2 =	slt.u32 s8, $0xFFFFF086  }
0x1c: {  	p1 =	slt.u32 s9, $0xF7A;
	s5 =	simm.s32 @!p2 $0x0  }
0x1d: {  	s5 =	simm.s32 @p1 $0x1;
	p0 =	seq.s32 s7, s2  }
0x1e: {  	s7 =	smul.u32 @!p0 $0xF7A, s2;
	p2 =	seq.s32 @!p0 s5, $0x0  }
0x1f: {  	s9 =	smul.u32 $0xF7A, s1;
	s8 =	simm.s32 @!p0 $0x1BF5;
	p2 =	por !p2, p0  }
0x20: {  	[sflag:s8] =	ssyncset.s32 @!p0 $0xFFFFF086;
	s6 =	sadd.s32 @!p0 s3, s7;
	s7 =	simm.s32 @!p0 $0x108  }
0x21: {  	s3 =	sadd.s32 s3, s9;
	s6 =	sadd.s32 @!p0 $0x88, s6;
	s7 =	simm.s32 @p2 $0x1082  }
0x22: {  	[simem:s7], [sflag:s8] =	dma.local @!p0 [hbm:s6], $0xF7A  }
0x23: {  	s9 =	sor.u32 $0xD0000000, s2;
	s6 =	simm.s32 $0x108;
	_ =	swait.ge @!p0 [sflag:s8], $0x0  }
0x24: {  	s3 =	sadd.s32 $0x88, s3;
	s6 =	simm.s32 @!p1 $0x1082;
	[sflag:s4] =	ssyncset.s32 $0xFFFFF086  }
0x25: {  	[simem:s6], [sflag:s4] =	dma.local [hbm:s3], $0xF7A  }
0x26: {  	[smem:$0x3F9F] =	sst s1;
	(tag) =	ssettag s2;
	_ =	strace s9  }
0x27: {  	s1 =	sld [smem:$0x3FAF]  }
0x28: {  	s2 =	sld [smem:$0x3FB0]  }
0x29: {  	s4 =	sld [smem:$0x3FB2]  }
0x2a: {  	p0 =	seq.s32 s5, $0x0;
	s5 =	sld [smem:$0x3FB3]  }
0x2b: {  	s6 =	sld [smem:$0x3FB4]  }
0x2c: {  	s7 =	sld [smem:$0x3FB5]  }
0x2d: {  	s3 =	simm.s32 $0x108;
	s8 =	sld [smem:$0x3FB6]  }
0x2e: {  	s3 =	simm.s32 @!p0 $0x1082;
	s9 =	sld [smem:$0x3FB7]  }
0x2f: {  	lr =	sadd.s32 s0, s3;
	s0 =	sld [smem:$0x3FAE]  }
0x30: {  	s3 =	sld [smem:$0x3FB1]  }
0x31: {  	[smem:$0x3FBA] =	sst s10  }
0x32: {  	s10 =	sld [smem:$0x3FB8];
	_ =	sdelay $0x3  }
0x33: {  	p0 =	seq.s32 s10, $0x1;
	s10 =	sld [smem:$0x3FBA];
	_ =	sdelay $0x3  }
0x34: {  	[smem:$0x3FBA] =	sst s10  }
0x35: {  	s10 =	sld [smem:$0x3FB9];
	_ =	sdelay $0x3  }
0x36: {  	p1 =	seq.s32 s10, $0x1;
	s10 =	sld [smem:$0x3FBA];
	_ =	sdelay $0x3  }
0x37: {  	[smem:$0x3FBA] =	sst s10  }
0x38: {  	s10 =	sld [smem:$0x3FBB]  }
0x39: {  	_ = 	snop;
	(pc) =	sbr.ind lr, $3  }
0x3a: {  	_ = 	snop  }
0x3b: {  	_ = 	snop  }
0x3c: {  	p2 =	seq.s32 s10, $0x1;
	s10 =	sld [smem:$0x3FBA]  }
0x3d: {  	_ =	shalt  }
0x3e: {  	_ =	shalt  }
0x3f: {  	_ =	shalt  }
0x40: {  	_ =	shalt  }
0x41: {  	_ =	shalt  }
0x42: {  	_ =	shalt  }
0x43: {  	_ =	shalt  }
0x44: {  	_ =	shalt  }
0x45: {  	_ =	shalt  }
0x46: {  	_ =	shalt  }
0x47: {  	_ =	shalt  }
0x48: {  	_ =	shalt  }
0x49: {  	_ =	shalt  }
0x4a: {  	_ =	shalt  }
0x4b: {  	_ =	shalt  }
0x4c: {  	_ =	shalt  }
0x4d: {  	_ =	shalt  }
0x4e: {  	_ =	shalt  }
0x4f: {  	_ =	shalt  }
0x50: {  	_ =	shalt  }
0x51: {  	_ =	shalt  }
0x52: {  	_ =	shalt  }
0x53: {  	_ =	shalt  }
0x54: {  	_ =	shalt  }
0x55: {  	_ =	shalt  }
0x56: {  	_ =	shalt  }
0x57: {  	_ =	shalt  }
0x58: {  	_ =	shalt  }
0x59: {  	_ =	shalt  }
0x5a: {  	_ =	shalt  }
0x5b: {  	_ =	shalt  }
0x5c: {  	_ =	shalt  }
0x5d: {  	_ =	shalt  }
0x5e: {  	_ =	shalt  }
0x5f: {  	_ =	shalt  }
0x60: {  	_ =	shalt  }
0x61: {  	_ =	shalt  }
0x62: {  	_ =	shalt  }
0x63: {  	_ =	shalt  }
0x64: {  	_ =	shalt  }
0x65: {  	_ =	shalt  }
0x66: {  	_ =	shalt  }
0x67: {  	_ =	shalt  }
0x68: {  	_ =	shalt  }
0x69: {  	_ =	shalt  }
0x6a: {  	_ =	shalt  }
0x6b: {  	_ =	shalt  }
0x6c: {  	_ =	shalt  }
0x6d: {  	_ =	shalt  }
0x6e: {  	_ =	shalt  }
0x6f: {  	_ =	shalt  }
0x70: {  	_ =	shalt  }
0x71: {  	_ =	shalt  }
0x72: {  	_ =	shalt  }
0x73: {  	_ =	shalt  }
0x74: {  	_ =	shalt  }
0x75: {  	_ =	shalt  }
0x76: {  	_ =	shalt  }
0x77: {  	_ =	shalt  }
0x78: {  	_ =	shalt  }
0x79: {  	_ =	shalt  }
0x7a: {  	_ =	shalt  }
0x7b: {  	_ =	shalt  }
0x7c: {  	_ =	shalt  }
0x7d: {  	_ =	shalt  }
0x7e: {  	_ =	shalt  }
0x7f: {  	_ =	shalt  }
0x80: {  	_ =	shalt  }
0x81: {  	_ =	shalt  }
0x82: {  	_ =	shalt  }
0x83: {  	_ =	shalt  }
0x84: {  	_ =	shalt  }
0x85: {  	_ =	shalt  }
0x86: {  	_ =	shalt  }
0x87: {  	_ =	shalt  }
.Lfunc_end0:
.L_simem_size_0:
called_computation_lowered:
.L_overlay_start_0:
0x88: {  	s2 =	sld [smem:$0x3FD9]  }
0x89: {  	s3 =	sld [smem:$0x3FFE];
	_ =	sdelay $0x1  }
0x8a: {  	s1 =	srdreg.scid  }
0x8b: {  	s0 =	sand.u32 $0x1, s1  }
0x8c: {  	s14 =	sshll.u32 s0, $0xA;
	s2 =	sadd.s32 s3, s2  }
0x8d: {  	s2 =	sadd.s32 s2, s14  }
0x8e: {  	[smem:$0x3FC6] =	sst s2  }
0x8f: {  	_ = 	snop  }
0x90: {  	s2 =	sld [smem:$0x3FD0];
	_ =	sdelay $0x1  }
0x91: {  	s15 =	sld [smem:$0x3FC9]  }
0x92: {  	s5 =	simm.s32 $0xA;
	s6 =	simm.s32 $0x10;
	s4 =	sld [smem:$0x3FC8]  }
0x93: {  	[smem:s6], [sflag:s5] =	dma.local [hbm:s2], $0x1  }
0x94: {  	_ =	swait.eq [sflag:s5], $0x1  }
0x95: {  	[sflag:s5] =	ssyncset.done $0x0  }
0x96: {  	[sflag:s5] =	ssyncadd.s32 $0xFFFFFFFF  }
0x97: {  	s16 =	sld [smem:$0x11];
	(tm) =	ssettm $0x1  }
0x98: {  	s17 =	sld [smem:$0x3FFB];
	_ =	sdelay $0x3  }
0x99: {  	_ =	strace s17  }
0x9a: {  	s5 =	sld [smem:$0x3FFC];
	_ =	sdelay $0x3  }
0x9b: {  	_ =	strace s5  }
0x9c: {  	s5 =	sld [smem:$0x3FFD];
	_ =	sdelay $0x3  }
0x9d: {  	_ =	strace s5  }
0x9e: {  	_ =	strace $0x8FFFFFFF  }
0x9f: {  	s18 =	sld [smem:$0x3FDB];
	_ =	sdelay $0x1  }
0xa0: {  	s19 =	simm.s32 $_scs_section_size  }
0xa1: {  	s7 =	simm.s32 $_size__tile_overlayer_lowered;
	s8 =	simm.s32 $_tile_overlayer_lowered  }
0xa2: {  	s22 =	simm.s32 $0x1BFF;
	s21 =	sshll.u32 s8, $0x1;
	s5 =	sadd.s32 s19, s18  }
0xa3: {  	s9 =	simm.s32 $0x0;
	s20 =	sshll.u32 s7, $0x1;
	s7 =	sadd.s32 s21, s5  }
0xa4: {  	[timem:s9], [sflag:s22] =	dma.local [hbm:s7], s20  }
0xa5: {  	_ =	swait.ge [sflag:s22], s20  }
0xa6: {  	s6 =	ssub.s32 $0x0, s20;
	[sflag:s22] =	ssyncset.done $0x0  }
0xa7: {  	[sflag:s22] =	ssyncadd.s32 s6;
	_ =	sdelay $0x1  }
0xa8: {  	s23 =	simm.s32 $0x1B8B  }
0xa9: {  	_ =	swait.ge [sflag:s23], $0x1  }
0xaa: {  	[sflag:s23] =	ssyncset.done $0x0  }
0xab: {  	s25 =	simm.s32 $0x1B8E;
	s24 =	sld [smem:$0x3FFE];
	[sflag:s23] =	ssyncadd.s32 $0xFFFFFFFF  }
0xac: {  	s26 =	simm.s32 $execute0_lowered;
	[smem:$0x3FD2] =	sst s25  }
0xad: {  	s7 =	sshll.u32 s26, $0x1;
	_ =	strace $0x80000046;
	[dreg:$0x1] =	wrdreg $0xFFFFFFFF  }
0xae: {  	s28 =	simm.s32 $_size_execute0_lowered;
	s5 =	sadd.s32 s5, s7;
	[dreg:$0x0] =	wrdreg $0x0  }
0xaf: {  	s7 =	sshll.u32 s28, $0x1;
	[dreg:$0x2] =	wrdreg s5  }
0xb0: {  	[dreg:$0x3] =	wrdreg s7  }
0xb1: {  	[dreg:$0x4] =	wrdreg $0xC0  }
0xb2: {  	_ =	task [dreg:s9], $0x5FFFF  }
0xb3: {  	[dreg:$0x1] =	wrdreg $0xFFFFFFFF  }
0xb4: {  	[dreg:$0x0] =	wrdreg $0x60  }
0xb5: {  	[dreg:$0x2] =	wrdreg s15  }
0xb6: {  	[dreg:$0x3] =	wrdreg s4  }
0xb7: {  	[dreg:$0x4] =	wrdreg s24  }
0xb8: {  	[dreg:$0x5] =	wrdreg s16  }
0xb9: {  	[dreg:$0x6] =	wrdreg $0x9  }
0xba: {  	_ =	task.clear_ibuf [dreg:s9], $0x7FFFF;
	_ =	strace $0x90000046  }
0xbb: {  	s29 =	simm.s32 $0x9;
	_ =	strace $0x80000048  }
0xbc: {  	_ =	swait.ge [sflag:s29], $0x1  }
0xbd: {  	[sflag:s29] =	ssyncadd.s32 $0xFFFFFFFF  }
0xbe: {  	_ =	strace $0x90000048  }
0xbf: {  	_ =	sfence  }
0xc0: {  	s30 =	sld [smem:$0x0];
	_ =	sdelay $0x2  }
0xc1: {  	s31 =	sshll.u32 s1, $0xD;
	s1 =	sshrl.u32 s1, $0x2  }
0xc2: {  	s3 =	sand.u32 $0x4000, s31;
	s1 =	sadd.s32 s1, s30  }
0xc3: {  	s0 =	sor.u32 s3, s0;
	s1 =	sshll.u32 s1, $0x11  }
0xc4: {  	s0 =	sor.u32 s1, s0  }
0xc5: {  	s0 =	sadd.s32 $0x8F2B, s0  }
0xc6: {  	[sflag:s0] =	ssyncadd.remote.s32 $0x1  }
0xc7: {  	_ =	sfence.sel $0xFFFF  }
0xc8: {  	[dreg:$0x0] =	wrdreg $0xFFFFFFFF;
	(pc) =	sbr.abs _section_cstart, $3  }
0xc9: {  	[dreg:$0x1] =	wrdreg $0xFFFFFFFF  }
0xca: {  	_ =	task.clear_ibuf [dreg:s9], $0x2FFFF;
	_ =	strace $0x9FFFFFFF  }
0xcb: {  	(tm) =	ssettm $0x7FFFFFFF  }
tec
execute0_lowered:
.L_overlay_start_1:
0x0: {  	(tag) =	ssettag $0x1  }
0x1: {  	v0 =	vimm.f32 $-5.238094930e-01;
	vm9 =	vcmask $0x300  }
0x2: {  	vm1 =	vcmask $0x704;
	s0 =	rddreg [dreg:$0x0];
	vm2 =	vcmask $0xB08;
	vm3 =	vcmask $0xF0C  }
0x3: {  	s11 =	rddreg [dreg:$0x1];
	vm4 =	vcmask $0x1310;
	vm5 =	vcmask $0x1714;
	vm6 =	vcmask $0x1B18  }
0x4: {  	s4 =	rddreg [dreg:$0x2];
	vm10 =	vcmask $0x1F1C;
	vm12 =	vcmask $0x2320;
	vm14 =	vcmask $0x2724  }
0x5: {  	s13 =	rddreg [dreg:$0x3];
	s3 =	simm.s32 $0x0;
	s5 =	srdreg.scid;
	vm13 =	vcmask $0x2B28;
	vm7 =	vcmask $0x2F2C;
	vm0 =	vcmask $0x3330  }
0x6: {  	s2 =	stileid.u32;
	vm11 =	vcmask $0x3734;
	vm8 =	vcmask $0x3B38;
	v5 =	vimm.f32 $-1.587295530e-02;
	s7 =	simm.s32 $0x14F0;
	s8 =	simm.s32 $0xC00  }
0x7: {  	v6 =	vimm.f32 $4.920635220e-01;
	v7 =	vimm.f32 $1.000000000e+00;
	v0 =	vsel vm9, $0xBF800000, v0;
	[smem:$0x7FF] =	sst s3;
	s12 =	sand.u32 $0x1, s5;
	s31 =	sshll.u32 s2, $0x1  }
0x8: {  	s1 =	rddreg [dreg:$0x4];
	v5 =	vsel vm9, $0xBEFBEFBE, v5;
	v6 =	vsel vm9, $0x3C820840, v6;
	v7 =	vsel vm9, $0x3F061864, v7;
	s5 =	sor.u32 s12, s31  }
0x9: {  	s9 =	simm.s32 $0x8F0;
	v0 =	vsel vm1, $0xBF77DF7E, v0;
	_ =	strace $0x80000047;
	s6 =	smul.u32 $0x9, s5  }
0xa: {  	s10 =	simm.s32 $0x1CF0;
	v5 =	vsel vm1, $0xBEEBAEBA, v5;
	v6 =	vsel vm1, $0x3D430C40, v6;
	s14 =	smul.u32 $0x1E, s5  }
0xb: {  	s18 =	simm.s32 $0x30F0;
	v7 =	vsel vm1, $0x3F0E38E6, v7;
	v0 =	vsel vm2, $0xBF6FBEFC, v0;
	s15 =	smul.u32 $0x220, s5  }
0xc: {  	s19 =	simm.s32 $0x3CF0;
	s16 =	smul.u32 $0x1100, s5;
	v5 =	vsel vm2, $0xBEDB6DB6, v5;
	v6 =	vsel vm2, $0x3DA28A30, v6  }
0xd: {  	v7 =	vsel vm2, $0x3F165968, v7;
	v0 =	vsel vm3, $0xBF679E7A, v0;
	v5 =	vsel vm3, $0xBECB2CB2, v5  }
0xe: {  	v6 =	vsel vm3, $0x3DE38E40, v6;
	v7 =	vsel vm3, $0x3F1E79EA, v7;
	v0 =	vsel vm4, $0xBF5F7DF8, v0  }
0xf: {  	v5 =	vsel vm4, $0xBEBAEBAE, v5;
	v6 =	vsel vm4, $0x3E124928, v6;
	v7 =	vsel vm4, $0x3F269A6C, v7  }
0x10: {  	v0 =	vsel vm5, $0xBF575D76, v0;
	v5 =	vsel vm5, $0xBEAAAAAA, v5;
	v6 =	vsel vm5, $0x3E32CB30, v6  }
0x11: {  	v7 =	vsel vm5, $0x3F2EBAEE, v7;
	v0 =	vsel vm6, $0xBF4F3CF4, v0;
	v5 =	vsel vm6, $0xBE9A69A6, v5  }
0x12: {  	v6 =	vsel vm6, $0x3E534D38, v6;
	v7 =	vsel vm6, $0x3F36DB70, v7;
	v1 =	vsel vm10, $0xBF471C72, v0  }
0x13: {  	s5 =	simm.s32 $0x800;
	s4 =	sadd.s32 s6, s4;
	s6 =	simm.s32 $0xF0;
	v0 =	vlaneseq.u32;
	v5 =	vsel vm10, $0xBE8A28A2, v5;
	v6 =	vsel vm10, $0x3E73CF40, v6  }
0x14: {  	v7 =	vsel vm10, $0x3F3EFBF2, v7;
	v2 =	vsel vm12, $0xBF3EFBF0, v1;
	v1 =	vmul.u32 $0x80, v0  }
0x15: {  	v5 =	vsel vm12, $0xBE73CF38, v5;
	v6 =	vsel vm12, $0x3E8A28A4, v6;
	v7 =	vsel vm12, $0x3F471C74, v7  }
0x16: {  	s12 =	ssub.s32 $0x2, s12;
	v2 =	vsel vm14, $0xBF36DB6E, v2;
	v5 =	vsel vm14, $0xBE534D30, v5;
	v6 =	vsel vm14, $0x3E9A69A8, v6  }
0x17: {  	s17 =	sshrl.u32 s12, $0x1;
	v7 =	vsel vm14, $0x3F4F3CF6, v7;
	v3 =	vsel vm13, $0xBF2EBAEC, v2;
	v2 =	vor.u32 $0x800, v1  }
0x18: {  	s17 =	ssub.s32 s12, s17;
	v5 =	vsel vm13, $0xBE32CB28, v5;
	v6 =	vsel vm13, $0x3EAAAAAC, v6;
	v7 =	vsel vm13, $0x3F575D78, v7  }
0x19: {  	s11 =	sadd.s32 s11, s14;
	s14 =	smax.u32 s17, $0x1;
	s17 =	simm.s32 $0x28F0;
	v4 =	vsel vm7, $0xBF269A6A, v3;
	v3 =	vor.u32 $0x1000, v1;
	v5 =	vsel vm7, $0xBE124920, v5  }
0x1a: {  	v6 =	vsel vm7, $0x3EBAEBB0, v6;
	v7 =	vsel vm7, $0x3F5F7DFA, v7;
	v4 =	vsel vm0, $0xBF1E79E7, v4  }
0x1b: {  	v5 =	vsel vm0, $0xBDE38E30, v5;
	v6 =	vsel vm0, $0x3ECB2CB4, v6;
	v7 =	vsel vm0, $0x3F679E7C, v7  }
0x1c: {  	s20 =	simm.s32 $0x3;
	s21 =	simm.s32 $0x0;
	s16 =	sshrl.u32 s16, $0x3;
	v4 =	vsel vm11, $0xBF165965, v4;
	v5 =	vsel vm11, $0xBDA28A20, v5;
	v8 =	vsel vm11, $0x3EDB6DB8, v6  }
0x1d: {  	s12 =	sadd.s32 s13, s15;
	s4 =	sadd.s32 $0x800, s4;
	s13 =	sadd.s32 s13, s16;
	v9 =	vsel vm11, $0x3F6FBEFE, v7;
	v6 =	vor.u32 $0x1800, v1;
	v4 =	vsel vm8, $0xBF0E38E3, v4  }
0x1e: {  	s15 =	simm.s32 $0x4;
	s16 =	simm.s32 $0x1;
	s13 =	sadd.s32 $0x100, s13;
	v5 =	vsel vm8, $0xBD430C20, v5;
	v7 =	vsel vm8, $0x3EEBAEBC, v8;
	v8 =	vsel vm8, $0x3F77DF80, v9  }
.LBB2_1:
0x1f: {  	[tilespmem:s3], [sflag:$0x4] =	stream.linear.gather [hbm4b:s11+s3], $0xF0, $0x38;
	[tilespmem:$0x3D40] =	vst v63  }
0x20: {  	_ =	swait.ge [sflag:s15], $0xF0  }
0x21: {  	[sflag:s15] =	ssyncset.done $0x0  }
0x22: {  	p0 =	por $0x1, $0x1;
	s22 =	simm.s32 $0x0;
	[sflag:s15] =	ssyncadd.s32 $0xFFFFFF10  }
.LBB2_2:
0x23: {  	s23 =	sshll.u32 s22, $0x4  }
0x24: {  	s23 =	sand.u32 $0x3FFFFFF0, s23  }
0x25: {  	v9 =	vld [tilespmem:s23+$0x50];
	_ =	sdelay $0x1  }
0x26: {  	v10 =	vld [tilespmem:s23+$0xA0];
	_ =	sdelay $0x1  }
0x27: {  	v11 =	vld [tilespmem:s23+$0x0]  }
0x28: {  	v9 =	vmul.u32 $0x60, v9;
	_ =	sdelay $0x1  }
0x29: {  	v9 =	vadd.s32 v10, v9  }
0x2a: {  	v9 =	vshll.u32 v9, $0xD  }
0x2b: {  	v9 =	vadd.s32 v11, v9  }
0x2c: {  	v10 =	vbroadcast v9, $0x0  }
0x2d: {  	s31 =	sshll.u32 s22, $0xA  }
0x2e: {  	s22 =	sand.u32 $0x3FFFFC00, s31;
	v11 =	vadd.s32 v1, v10  }
0x2f: {  	[tilespmem:s22+$0xF0] =	vst v11;
	v11 =	vadd.s32 v2, v10  }
0x30: {  	v12 =	vbroadcast v9, $0x1;
	[tilespmem:s22+$0x100] =	vst v11;
	v11 =	vadd.s32 v3, v10  }
0x31: {  	v10 =	vadd.s32 v6, v10;
	[tilespmem:s22+$0x110] =	vst v11  }
0x32: {  	[tilespmem:s22+$0x120] =	vst v10;
	v10 =	vadd.s32 v1, v12  }
0x33: {  	[tilespmem:s22+$0x130] =	vst v10;
	v10 =	vadd.s32 v2, v12  }
0x34: {  	v11 =	vbroadcast v9, $0x2;
	[tilespmem:s22+$0x140] =	vst v10;
	v10 =	vadd.s32 v3, v12  }
0x35: {  	[tilespmem:s22+$0x150] =	vst v10;
	v10 =	vadd.s32 v6, v12  }
0x36: {  	[tilespmem:s22+$0x160] =	vst v10;
	v10 =	vadd.s32 v1, v11  }
0x37: {  	[tilespmem:s22+$0x170] =	vst v10;
	v10 =	vadd.s32 v2, v11  }
0x38: {  	v58 =	vbroadcast v9, $0x3;
	[tilespmem:s22+$0x180] =	vst v10;
	v10 =	vadd.s32 v3, v11  }
0x39: {  	[tilespmem:s22+$0x190] =	vst v10;
	v10 =	vadd.s32 v6, v11  }
0x3a: {  	[tilespmem:s22+$0x1A0] =	vst v10;
	v10 =	vadd.s32 v1, v58  }
0x3b: {  	[tilespmem:s22+$0x1B0] =	vst v10;
	v10 =	vadd.s32 v2, v58  }
0x3c: {  	v11 =	vbroadcast v9, $0x4;
	[tilespmem:s22+$0x1C0] =	vst v10;
	v10 =	vadd.s32 v3, v58  }
0x3d: {  	[tilespmem:s22+$0x1D0] =	vst v10;
	v10 =	vadd.s32 v6, v58  }
0x3e: {  	[tilespmem:s22+$0x1E0] =	vst v10;
	v10 =	vadd.s32 v1, v11  }
0x3f: {  	[tilespmem:s22+$0x1F0] =	vst v10;
	v10 =	vadd.s32 v2, v11  }
0x40: {  	v59 =	vbroadcast v9, $0x5;
	[tilespmem:s22+$0x200] =	vst v10;
	v10 =	vadd.s32 v3, v11  }
0x41: {  	[tilespmem:s22+$0x210] =	vst v10;
	v10 =	vadd.s32 v6, v11  }
0x42: {  	[tilespmem:s22+$0x220] =	vst v10;
	v10 =	vadd.s32 v1, v59  }
0x43: {  	[tilespmem:s22+$0x230] =	vst v10;
	v10 =	vadd.s32 v2, v59  }
0x44: {  	v11 =	vbroadcast v9, $0x6;
	[tilespmem:s22+$0x240] =	vst v10;
	v10 =	vadd.s32 v3, v59  }
0x45: {  	[tilespmem:s22+$0x250] =	vst v10;
	v10 =	vadd.s32 v6, v59  }
0x46: {  	[tilespmem:s22+$0x260] =	vst v10;
	v10 =	vadd.s32 v1, v11  }
0x47: {  	[tilespmem:s22+$0x270] =	vst v10;
	v10 =	vadd.s32 v2, v11  }
0x48: {  	v60 =	vbroadcast v9, $0x7;
	[tilespmem:s22+$0x280] =	vst v10;
	v10 =	vadd.s32 v3, v11  }
0x49: {  	[tilespmem:s22+$0x290] =	vst v10;
	v10 =	vadd.s32 v6, v11  }
0x4a: {  	[tilespmem:s22+$0x2A0] =	vst v10;
	v10 =	vadd.s32 v1, v60  }
0x4b: {  	[tilespmem:s22+$0x2B0] =	vst v10;
	v10 =	vadd.s32 v2, v60  }
0x4c: {  	v11 =	vbroadcast v9, $0x8;
	[tilespmem:s22+$0x2C0] =	vst v10;
	v10 =	vadd.s32 v3, v60  }
0x4d: {  	[tilespmem:s22+$0x2D0] =	vst v10;
	v10 =	vadd.s32 v6, v60  }
0x4e: {  	[tilespmem:s22+$0x2E0] =	vst v10;
	v10 =	vadd.s32 v1, v11  }
0x4f: {  	[tilespmem:s22+$0x2F0] =	vst v10;
	v10 =	vadd.s32 v2, v11  }
0x50: {  	v61 =	vbroadcast v9, $0x9;
	[tilespmem:s22+$0x300] =	vst v10;
	v10 =	vadd.s32 v3, v11  }
0x51: {  	[tilespmem:s22+$0x310] =	vst v10;
	v10 =	vadd.s32 v6, v11  }
0x52: {  	[tilespmem:s22+$0x320] =	vst v10;
	v10 =	vadd.s32 v1, v61  }
0x53: {  	[tilespmem:s22+$0x330] =	vst v10;
	v10 =	vadd.s32 v2, v61  }
0x54: {  	v11 =	vbroadcast v9, $0xA;
	[tilespmem:s22+$0x340] =	vst v10;
	v10 =	vadd.s32 v3, v61  }
0x55: {  	[tilespmem:s22+$0x350] =	vst v10;
	v10 =	vadd.s32 v6, v61  }
0x56: {  	[tilespmem:s22+$0x360] =	vst v10;
	v10 =	vadd.s32 v1, v11  }
0x57: {  	[tilespmem:s22+$0x370] =	vst v10;
	v10 =	vadd.s32 v2, v11  }
0x58: {  	v62 =	vbroadcast v9, $0xB;
	[tilespmem:s22+$0x380] =	vst v10;
	v10 =	vadd.s32 v3, v11  }
0x59: {  	[tilespmem:s22+$0x390] =	vst v10;
	v10 =	vadd.s32 v6, v11  }
0x5a: {  	[tilespmem:s22+$0x3A0] =	vst v10;
	v10 =	vadd.s32 v1, v62  }
0x5b: {  	[tilespmem:s22+$0x3B0] =	vst v10;
	v10 =	vadd.s32 v2, v62  }
0x5c: {  	v11 =	vbroadcast v9, $0xC;
	[tilespmem:s22+$0x3C0] =	vst v10;
	v10 =	vadd.s32 v3, v62  }
0x5d: {  	[tilespmem:s22+$0x3D0] =	vst v10;
	v10 =	vadd.s32 v6, v62  }
0x5e: {  	[tilespmem:s22+$0x3E0] =	vst v10;
	v10 =	vadd.s32 v1, v11  }
0x5f: {  	[tilespmem:s22+$0x3F0] =	vst v10;
	v10 =	vadd.s32 v2, v11  }
0x60: {  	v63 =	vbroadcast v9, $0xD;
	[tilespmem:s22+$0x400] =	vst v10;
	v10 =	vadd.s32 v3, v11  }
0x61: {  	[tilespmem:s22+$0x410] =	vst v10;
	v10 =	vadd.s32 v6, v11  }
0x62: {  	[tilespmem:s22+$0x420] =	vst v10;
	v10 =	vadd.s32 v1, v63  }
0x63: {  	[tilespmem:s22+$0x430] =	vst v10;
	v10 =	vadd.s32 v2, v63  }
0x64: {  	v11 =	vbroadcast v9, $0xE;
	[tilespmem:s22+$0x440] =	vst v10;
	v10 =	vadd.s32 v3, v63  }
0x65: {  	[tilespmem:s22+$0x450] =	vst v10;
	v10 =	vadd.s32 v6, v63  }
0x66: {  	[tilespmem:s22+$0x460] =	vst v10;
	v10 =	vadd.s32 v1, v11  }
0x67: {  	[tilespmem:s22+$0x470] =	vst v10;
	v10 =	vadd.s32 v2, v11  }
0x68: {  	v9 =	vbroadcast v9, $0xF;
	[tilespmem:s22+$0x480] =	vst v10;
	v10 =	vadd.s32 v3, v11  }
0x69: {  	p1 =	por p0, p0;
	[tilespmem:s22+$0x490] =	vst v10;
	v10 =	vadd.s32 v6, v11  }
.Ltmp0:
0x6a: {  	[tilespmem:s22+$0x4A0] =	vst v10;
	v10 =	vadd.s32 v1, v9;
	(pc) =	sbr.rel @p1 .LBB2_2-.Ltmp0, $4  }
0x6b: {  	[tilespmem:s22+$0x4B0] =	vst v10;
	v10 =	vadd.s32 v2, v9  }
0x6c: {  	[tilespmem:s22+$0x4C0] =	vst v10;
	v10 =	vadd.s32 v3, v9  }
0x6d: {  	v9 =	vadd.s32 v6, v9;
	[tilespmem:s22+$0x4D0] =	vst v10  }
0x6e: {  	p0 =	por $0x0, $0x0;
	[tilespmem:s22+$0x4E0] =	vst v9;
	s22 =	simm.s32 $0x1  }
0x6f: {  	[tilespmem:s7], [sflag:$0x1] =	stream.indirect.gather [hbm4b:s0+s5], $0x1, s6, s5, $0xb8;
	[tilespmem:$0x3D40] =	vst v63  }
0x70: {  	s22 =	simm.s32 $0x0;
	s23 =	simm.s32 $0xAF0  }
.LBB2_4:
0x71: {  	s24 =	sshra.s32 s22, $0x2  }
0x72: {  	v9 =	vld [tilespmem:s24+$0x70];
	_ =	sdelay $0x1  }
0x73: {  	v10 =	vld [tilespmem:s24+$0xC0];
	_ =	sdelay $0x1  }
0x74: {  	v11 =	vld [tilespmem:s24+$0x20]  }
0x75: {  	v9 =	vmul.u32 $0x60, v9;
	_ =	sdelay $0x1  }
0x76: {  	v9 =	vadd.s32 v10, v9  }
0x77: {  	v9 =	vshll.u32 v9, $0xD  }
0x78: {  	v9 =	vadd.s32 v11, v9  }
0x79: {  	v10 =	vbroadcast v9, $0x0;
	_ =	sdelay $0x1  }
0x7a: {  	v11 =	vadd.s32 v1, v10  }
0x7b: {  	[tilespmem:s23+$0xFFFFFE00] =	vst v11;
	v11 =	vadd.s32 v2, v10  }
0x7c: {  	v12 =	vbroadcast v9, $0x1;
	[tilespmem:s23+$0xFFFFFE10] =	vst v11;
	v11 =	vadd.s32 v3, v10  }
0x7d: {  	v10 =	vadd.s32 v6, v10;
	[tilespmem:s23+$0xFFFFFE20] =	vst v11  }
0x7e: {  	[tilespmem:s23+$0xFFFFFE30] =	vst v10;
	v10 =	vadd.s32 v1, v12  }
0x7f: {  	[tilespmem:s23+$0xFFFFFE40] =	vst v10;
	v10 =	vadd.s32 v2, v12  }
0x80: {  	v11 =	vbroadcast v9, $0x2;
	[tilespmem:s23+$0xFFFFFE50] =	vst v10;
	v10 =	vadd.s32 v3, v12  }
0x81: {  	[tilespmem:s23+$0xFFFFFE60] =	vst v10;
	v10 =	vadd.s32 v6, v12  }
0x82: {  	[tilespmem:s23+$0xFFFFFE70] =	vst v10;
	v10 =	vadd.s32 v1, v11  }
0x83: {  	[tilespmem:s23+$0xFFFFFE80] =	vst v10;
	v10 =	vadd.s32 v2, v11  }
0x84: {  	v58 =	vbroadcast v9, $0x3;
	[tilespmem:s23+$0xFFFFFE90] =	vst v10;
	v10 =	vadd.s32 v3, v11  }
0x85: {  	[tilespmem:s23+$0xFFFFFEA0] =	vst v10;
	v10 =	vadd.s32 v6, v11  }
0x86: {  	[tilespmem:s23+$0xFFFFFEB0] =	vst v10;
	v10 =	vadd.s32 v1, v58  }
0x87: {  	[tilespmem:s23+$0xFFFFFEC0] =	vst v10;
	v10 =	vadd.s32 v2, v58  }
0x88: {  	v11 =	vbroadcast v9, $0x4;
	[tilespmem:s23+$0xFFFFFED0] =	vst v10;
	v10 =	vadd.s32 v3, v58  }
0x89: {  	[tilespmem:s23+$0xFFFFFEE0] =	vst v10;
	v10 =	vadd.s32 v6, v58  }
0x8a: {  	[tilespmem:s23+$0xFFFFFEF0] =	vst v10;
	v10 =	vadd.s32 v1, v11  }
0x8b: {  	[tilespmem:s23+$0xFFFFFF00] =	vst v10;
	v10 =	vadd.s32 v2, v11  }
0x8c: {  	v59 =	vbroadcast v9, $0x5;
	[tilespmem:s23+$0xFFFFFF10] =	vst v10;
	v10 =	vadd.s32 v3, v11  }
0x8d: {  	[tilespmem:s23+$0xFFFFFF20] =	vst v10;
	v10 =	vadd.s32 v6, v11  }
0x8e: {  	[tilespmem:s23+$0xFFFFFF30] =	vst v10;
	v10 =	vadd.s32 v1, v59  }
0x8f: {  	[tilespmem:s23+$0xFFFFFF40] =	vst v10;
	v10 =	vadd.s32 v2, v59  }
0x90: {  	v11 =	vbroadcast v9, $0x6;
	[tilespmem:s23+$0xFFFFFF50] =	vst v10;
	v10 =	vadd.s32 v3, v59  }
0x91: {  	[tilespmem:s23+$0xFFFFFF60] =	vst v10;
	v10 =	vadd.s32 v6, v59  }
0x92: {  	[tilespmem:s23+$0xFFFFFF70] =	vst v10;
	v10 =	vadd.s32 v1, v11  }
0x93: {  	[tilespmem:s23+$0xFFFFFF80] =	vst v10;
	v10 =	vadd.s32 v2, v11  }
0x94: {  	v60 =	vbroadcast v9, $0x7;
	[tilespmem:s23+$0xFFFFFF90] =	vst v10;
	v10 =	vadd.s32 v3, v11  }
0x95: {  	[tilespmem:s23+$0xFFFFFFA0] =	vst v10;
	v10 =	vadd.s32 v6, v11  }
0x96: {  	[tilespmem:s23+$0xFFFFFFB0] =	vst v10;
	v10 =	vadd.s32 v1, v60  }
0x97: {  	[tilespmem:s23+$0xFFFFFFC0] =	vst v10;
	v10 =	vadd.s32 v2, v60  }
0x98: {  	v11 =	vbroadcast v9, $0x8;
	[tilespmem:s23+$0xFFFFFFD0] =	vst v10;
	v10 =	vadd.s32 v3, v60  }
0x99: {  	[tilespmem:s23+$0xFFFFFFE0] =	vst v10;
	v10 =	vadd.s32 v6, v60  }
0x9a: {  	[tilespmem:s23+$0xFFFFFFF0] =	vst v10;
	v10 =	vadd.s32 v1, v11  }
0x9b: {  	[tilespmem:s23+$0x0] =	vst v10;
	v10 =	vadd.s32 v2, v11  }
0x9c: {  	v61 =	vbroadcast v9, $0x9;
	[tilespmem:s23+$0x10] =	vst v10;
	v10 =	vadd.s32 v3, v11  }
0x9d: {  	[tilespmem:s23+$0x20] =	vst v10;
	v10 =	vadd.s32 v6, v11  }
0x9e: {  	[tilespmem:s23+$0x30] =	vst v10;
	v10 =	vadd.s32 v1, v61  }
0x9f: {  	[tilespmem:s23+$0x40] =	vst v10;
	v10 =	vadd.s32 v2, v61  }
0xa0: {  	v11 =	vbroadcast v9, $0xA;
	[tilespmem:s23+$0x50] =	vst v10;
	v10 =	vadd.s32 v3, v61  }
0xa1: {  	[tilespmem:s23+$0x60] =	vst v10;
	v10 =	vadd.s32 v6, v61  }
0xa2: {  	[tilespmem:s23+$0x70] =	vst v10;
	v10 =	vadd.s32 v1, v11  }
0xa3: {  	[tilespmem:s23+$0x80] =	vst v10;
	v10 =	vadd.s32 v2, v11  }
0xa4: {  	v62 =	vbroadcast v9, $0xB;
	[tilespmem:s23+$0x90] =	vst v10;
	v10 =	vadd.s32 v3, v11  }
0xa5: {  	[tilespmem:s23+$0xA0] =	vst v10;
	v10 =	vadd.s32 v6, v11  }
0xa6: {  	[tilespmem:s23+$0xB0] =	vst v10;
	v10 =	vadd.s32 v1, v62  }
0xa7: {  	[tilespmem:s23+$0xC0] =	vst v10;
	v10 =	vadd.s32 v2, v62  }
0xa8: {  	v11 =	vbroadcast v9, $0xC;
	[tilespmem:s23+$0xD0] =	vst v10;
	v10 =	vadd.s32 v3, v62  }
0xa9: {  	[tilespmem:s23+$0xE0] =	vst v10;
	v10 =	vadd.s32 v6, v62  }
0xaa: {  	[tilespmem:s23+$0xF0] =	vst v10;
	v10 =	vadd.s32 v1, v11  }
0xab: {  	[tilespmem:s23+$0x100] =	vst v10;
	v10 =	vadd.s32 v2, v11  }
0xac: {  	v63 =	vbroadcast v9, $0xD;
	[tilespmem:s23+$0x110] =	vst v10;
	v10 =	vadd.s32 v3, v11  }
0xad: {  	[tilespmem:s23+$0x120] =	vst v10;
	v10 =	vadd.s32 v6, v11  }
0xae: {  	[tilespmem:s23+$0x130] =	vst v10;
	v10 =	vadd.s32 v1, v63  }
0xaf: {  	[tilespmem:s23+$0x140] =	vst v10;
	v10 =	vadd.s32 v2, v63  }
0xb0: {  	v11 =	vbroadcast v9, $0xE;
	[tilespmem:s23+$0x150] =	vst v10;
	v10 =	vadd.s32 v3, v63  }
0xb1: {  	[tilespmem:s23+$0x160] =	vst v10;
	v10 =	vadd.s32 v6, v63  }
0xb2: {  	[tilespmem:s23+$0x170] =	vst v10;
	v10 =	vadd.s32 v1, v11  }
0xb3: {  	[tilespmem:s23+$0x180] =	vst v10;
	v10 =	vadd.s32 v2, v11  }
0xb4: {  	v9 =	vbroadcast v9, $0xF;
	[tilespmem:s23+$0x190] =	vst v10;
	v10 =	vadd.s32 v3, v11  }
0xb5: {  	p0 =	sne.s32 s22, $0x80;
	[tilespmem:s23+$0x1A0] =	vst v10;
	v10 =	vadd.s32 v6, v11  }
.Ltmp1:
0xb6: {  	[tilespmem:s23+$0x1B0] =	vst v10;
	v10 =	vadd.s32 v1, v9;
	(pc) =	sbr.rel @p0 .LBB2_4-.Ltmp1, $4  }
0xb7: {  	[tilespmem:s23+$0x1C0] =	vst v10;
	v10 =	vadd.s32 v2, v9  }
0xb8: {  	[tilespmem:s23+$0x1D0] =	vst v10;
	v10 =	vadd.s32 v3, v9  }
0xb9: {  	v9 =	vadd.s32 v6, v9;
	[tilespmem:s23+$0x1E0] =	vst v10  }
0xba: {  	s22 =	sadd.s32 $0x40, s22;
	[tilespmem:s23+$0x1F0] =	vst v9;
	s23 =	sadd.s32 $0x400, s23  }
0xbb: {  	[tilespmem:s10], [sflag:$0x2] =	stream.indirect.gather [hbm4b:s0+s8], $0x1, s9, s8, $0xb8;
	[tilespmem:$0x3D40] =	vst v63  }
0xbc: {  	_ =	swait.ge [sflag:s16], $0x800  }
0xbd: {  	s22 =	simm.s32 $0x0;
	[sflag:s16] =	ssyncset.done $0x0  }
0xbe: {  	p1 =	por $0x1, $0x1;
	s23 =	simm.s32 $0x0;
	[sflag:s16] =	ssyncadd.s32 $0xFFFFF800  }
.LBB2_6:
0xbf: {  	s24 =	sshll.u32 s23, $0x6  }
0xc0: {  	s24 =	sand.u32 $0x3FFFFFC0, s24  }
0xc1: {  	s25 =	sadd.s32 $0x1510, s24  }
0xc2: {  	v9 =	vld [tilespmem:s25+$0xFFFFFFE0]  }
0xc3: {  	v10 =	vld [tilespmem:s25+$0xFFFFFFF0];
	_ =	sdelay $0x1  }
0xc4: {  	v11 =	vld [tilespmem:s25+$0x0];
	_ =	sdelay $0x1  }
0xc5: {  	v12 =	vld [tilespmem:s25+$0x10];
	v9 =	vmul.f32 $1.442695020e+00, v9  }
0xc6: {  	v10 =	vmul.f32 $1.442695020e+00, v10  }
0xc7: {  	(erf) = vpow2.f32 v9  }
0xc8: {  	v9 =	vmul.f32 $1.442695020e+00, v11;
	(erf) = vpow2.f32 v10;
	_ =	sdelay $0x1  }
0xc9: {  	v10 =	vmul.f32 $1.442695020e+00, v12;
	(erf) = vpow2.f32 v9;
	_ =	sdelay $0x1  }
0xca: {  	(erf) = vpow2.f32 v10;
	_ =	sdelay $0x3  }
0xcb: {  	v9 =	vpop (erf)  }
0xcc: {  	v10 =	vpop (erf)  }
0xcd: {  	v11 =	vadd.f32 v10, v9  }
0xce: {  	v60 =	vpop (erf)  }
0xcf: {  	v11 =	vadd.f32 v60, v11  }
0xd0: {  	v13 =	vpop (erf)  }
0xd1: {  	v11 =	vadd.f32 v13, v11;
	_ =	sdelay $0x1  }
0xd2: {  	(xrf2) =	vadd.scan.msk.f32 $0xffff, v11;
	_ =	sdelay $0x6  }
0xd3: {  	v14 =	vmul.f32 v5, v10;
	v11 =	vmul.f32 v4, v9;
	_ =	sdelay $0x1  }
0xd4: {  	v61 =	vmul.f32 v7, v60;
	v11 =	vadd.f32 v14, v11  }
0xd5: {  	v15, _, _ =	vpop (xrf2)  }
0xd6: {  	v62 =	vmul.f32 v8, v13;
	v11 =	vadd.f32 v61, v11;
	v15 =	vbroadcast v15, $0xF;
	_ =	sdelay $0x1  }
0xd7: {  	v11 =	vadd.f32 v62, v11;
	(erf) = vrcp.f32 v15;
	_ =	sdelay $0x1  }
0xd8: {  	(xrf2) =	vadd.scan.msk.f32 $0xffff, v11;
	_ =	sdelay $0x6  }
0xd9: {  	v11 =	vpop (erf)  }
0xda: {  	v9 =	vmul.f32 v11, v9  }
0xdb: {  	s24 =	sadd.s32 $0x2910, s24;
	v10 =	vmul.f32 v11, v10  }
0xdc: {  	v63, _, _ =	vpop (xrf2);
	v12 =	vmul.f32 v11, v60;
	[tilespmem:s24+$0xFFFFFFE0] =	vst v9  }
0xdd: {  	v13 =	vmul.f32 v11, v13;
	v9 =	vbroadcast v63, $0xF;
	[tilespmem:s24+$0xFFFFFFF0] =	vst v10  }
0xde: {  	[tilespmem:s24+$0x0] =	vst v12  }
0xdf: {  	s26 =	sadd.s32 $0x40, s25;
	v10 =	vmov s22;
	[tilespmem:s24+$0x10] =	vst v13;
	v9 =	vmul.f32 v11, v9  }
0xe0: {  	vm0 =	veq.s32 v10, v0;
	v10 =	vld [tilespmem:s26+$0xFFFFFFE0];
	v11 =	vimm.f32 $0.0e+00  }
0xe1: {  	p0 =	por p1, p1;
	s28 =	simm.s32 $0x2;
	s25 =	simm.s32 $0x1;
	v9 =	vsel vm0, v9, v11;
	v11 =	vld [tilespmem:s26+$0xFFFFFFF0]  }
.LBB2_7:
0xe2: {  	p1 =	sne.s32 s28, $0xF;
	v12 =	vld [tilespmem:s26+$0x0]  }
0xe3: {  	v13 =	vld [tilespmem:s26+$0x10];
	_ =	sdelay $0x1  }
0xe4: {  	v10 =	vmul.f32 $1.442695020e+00, v10  }
0xe5: {  	v11 =	vmul.f32 $1.442695020e+00, v11  }
0xe6: {  	(erf) = vpow2.f32 v10  }
0xe7: {  	v10 =	vmul.f32 $1.442695020e+00, v12;
	(erf) = vpow2.f32 v11;
	_ =	sdelay $0x1  }
0xe8: {  	v11 =	vmul.f32 $1.442695020e+00, v13;
	(erf) = vpow2.f32 v10;
	_ =	sdelay $0x1  }
0xe9: {  	(erf) = vpow2.f32 v11;
	_ =	sdelay $0x3  }
0xea: {  	v10 =	vpop (erf)  }
0xeb: {  	v11 =	vmul.f32 v4, v10;
	v12 =	vpop (erf)  }
0xec: {  	v13 =	vadd.f32 v12, v10;
	v14 =	vmul.f32 v5, v12  }
0xed: {  	v15 =	vpop (erf)  }
0xee: {  	v13 =	vadd.f32 v15, v13;
	v11 =	vadd.f32 v14, v11;
	v14 =	vmul.f32 v7, v15  }
0xef: {  	v16 =	vpop (erf)  }
0xf0: {  	v13 =	vadd.f32 v16, v13;
	v11 =	vadd.f32 v14, v11;
	v14 =	vmul.f32 v8, v16;
	_ =	sdelay $0x1  }
0xf1: {  	v11 =	vadd.f32 v14, v11;
	(xrf2) =	vadd.scan.msk.f32 $0xffff, v13;
	_ =	sdelay $0x2  }
0xf2: {  	(xrf2) =	vadd.scan.msk.f32 $0xffff, v11;
	_ =	sdelay $0x6  }
0xf3: {  	v11, _, _ =	vpop (xrf2)  }
0xf4: {  	v11 =	vbroadcast v11, $0xF;
	_ =	sdelay $0x1  }
0xf5: {  	v13, _, _ =	vpop (xrf2);
	(erf) = vrcp.f32 v11  }
0xf6: {  	v11 =	vbroadcast v13, $0xF;
	_ =	sdelay $0x7  }
0xf7: {  	v13 =	vpop (erf)  }
0xf8: {  	v10 =	vmul.f32 v13, v10;
	v12 =	vmul.f32 v13, v12  }
0xf9: {  	s24 =	sadd.s32 $0x40, s24;
	v14 =	vmul.f32 v13, v15;
	v15 =	vmul.f32 v13, v16  }
0xfa: {  	v11 =	vmul.f32 v13, v11;
	[tilespmem:s24+$0xFFFFFFE0] =	vst v10;
	v10 =	vmov s25;
	s25 =	smov.u32 s28  }
.Ltmp2:
0xfb: {  	[tilespmem:s24+$0xFFFFFFF0] =	vst v12;
	vm0 =	veq.s32 v10, v0;
	(pc) =	sbr.rel @p1 .LBB2_7-.Ltmp2, $4  }
0xfc: {  	[tilespmem:s24+$0x0] =	vst v14;
	v9 =	vsel vm0, v11, v9  }
0xfd: {  	s26 =	sadd.s32 $0x40, s26;
	[tilespmem:s24+$0x10] =	vst v15  }
0xfe: {  	v10 =	vld [tilespmem:s26+$0xFFFFFFE0]  }
0xff: {  	s28 =	sadd.s32 $0x1, s28;
	v11 =	vld [tilespmem:s26+$0xFFFFFFF0]  }
0x100: {  	_ = 	snop  }
0x101: {  	v12 =	vld [tilespmem:s26+$0x0];
	_ =	sdelay $0x1  }
0x102: {  	v13 =	vld [tilespmem:s26+$0x10];
	v10 =	vmul.f32 $1.442695020e+00, v10  }
0x103: {  	v11 =	vmul.f32 $1.442695020e+00, v11  }
0x104: {  	(erf) = vpow2.f32 v10  }
0x105: {  	v10 =	vmul.f32 $1.442695020e+00, v12;
	(erf) = vpow2.f32 v11;
	_ =	sdelay $0x1  }
0x106: {  	v11 =	vmul.f32 $1.442695020e+00, v13;
	(erf) = vpow2.f32 v10;
	_ =	sdelay $0x1  }
0x107: {  	(erf) = vpow2.f32 v11;
	_ =	sdelay $0x3  }
0x108: {  	v10 =	vpop (erf)  }
0x109: {  	v11 =	vpop (erf)  }
0x10a: {  	v55 =	vadd.f32 v11, v10  }
0x10b: {  	v56 =	vpop (erf)  }
0x10c: {  	v12 =	vadd.f32 v56, v55  }
0x10d: {  	v14 =	vpop (erf)  }
0x10e: {  	v12 =	vadd.f32 v14, v12;
	_ =	sdelay $0x1  }
0x10f: {  	(xrf2) =	vadd.scan.msk.f32 $0xffff, v12;
	_ =	sdelay $0x4  }
0x110: {  	v57 =	vmul.f32 v4, v10;
	v15 =	vmul.f32 v5, v11;
	_ =	sdelay $0x1  }
0x111: {  	v58 =	vmul.f32 v7, v56;
	v12 =	vadd.f32 v15, v57;
	_ =	sdelay $0x1  }
0x112: {  	v59 =	vmul.f32 v8, v14;
	v12 =	vadd.f32 v58, v12  }
0x113: {  	v16, _, _ =	vpop (xrf2)  }
0x114: {  	v12 =	vadd.f32 v59, v12;
	v60 =	vbroadcast v16, $0xF;
	_ =	sdelay $0x1  }
0x115: {  	(xrf2) =	vadd.scan.msk.f32 $0xffff, v12;
	(erf) = vrcp.f32 v60;
	_ =	sdelay $0x8  }
0x116: {  	v61 =	vpop (erf)  }
0x117: {  	v62, _, _ =	vpop (xrf2);
	v10 =	vmul.f32 v61, v10  }
0x118: {  	s24 =	sadd.s32 $0x40, s24;
	v15 =	vbroadcast v62, $0xF;
	v11 =	vmul.f32 v61, v11  }
.Ltmp3:
0x119: {  	v13 =	vmul.f32 v61, v56;
	[tilespmem:s24+$0xFFFFFFE0] =	vst v10;
	(pc) =	sbr.rel @p0 .LBB2_6-.Ltmp3, $4  }
0x11a: {  	v63 =	vmov s25;
	v12 =	vmul.f32 v61, v15;
	v10 =	vmul.f32 v61, v14;
	[tilespmem:s24+$0xFFFFFFF0] =	vst v11  }
0x11b: {  	vm0 =	veq.s32 v63, v0;
	[tilespmem:s24+$0x0] =	vst v13  }
0x11c: {  	v9 =	vsel vm0, v12, v9;
	[tilespmem:s24+$0x10] =	vst v10  }
0x11d: {  	p1 =	por $0x0, $0x0;
	[tilespmem:s23+$0x3CF0] =	vst v9;
	s23 =	simm.s32 $0x10  }
0x11e: {  	[hbm4b:s12+s3] =	stream.linear.scatter [tilespmem:s17], [sflag:$0x3], $0x800, $0x38;
	[tilespmem:$0x3D40] =	vst v63  }
0x11f: {  	s22 =	simm.s32 $0x2  }
0x120: {  	_ =	swait.ge [sflag:s22], $0xC00  }
0x121: {  	[sflag:s22] =	ssyncset.done $0x0  }
0x122: {  	s23 =	simm.s32 $0x3120;
	s24 =	simm.s32 $0x1D10;
	[sflag:s22] =	ssyncadd.s32 $0xFFFFF400  }
.LBB2_10:
0x123: {  	v9 =	vld [tilespmem:s24+$0xFFFFFFE0]  }
0x124: {  	v10 =	vld [tilespmem:s24+$0xFFFFFFF0];
	_ =	sdelay $0x1  }
0x125: {  	v11 =	vld [tilespmem:s24+$0x0];
	_ =	sdelay $0x1  }
0x126: {  	v12 =	vld [tilespmem:s24+$0x10];
	v9 =	vmul.f32 $1.442695020e+00, v9  }
0x127: {  	v10 =	vmul.f32 $1.442695020e+00, v10  }
0x128: {  	(erf) = vpow2.f32 v9  }
0x129: {  	v9 =	vmul.f32 $1.442695020e+00, v11;
	(erf) = vpow2.f32 v10;
	_ =	sdelay $0x1  }
0x12a: {  	v10 =	vmul.f32 $1.442695020e+00, v12;
	(erf) = vpow2.f32 v9;
	_ =	sdelay $0x1  }
0x12b: {  	(erf) = vpow2.f32 v10;
	_ =	sdelay $0x3  }
0x12c: {  	v9 =	vpop (erf)  }
0x12d: {  	v10 =	vpop (erf)  }
0x12e: {  	v11 =	vadd.f32 v10, v9  }
0x12f: {  	v60 =	vpop (erf)  }
0x130: {  	v11 =	vadd.f32 v60, v11  }
0x131: {  	v13 =	vpop (erf)  }
0x132: {  	v11 =	vadd.f32 v13, v11;
	_ =	sdelay $0x1  }
0x133: {  	(xrf2) =	vadd.scan.msk.f32 $0xffff, v11;
	_ =	sdelay $0x6  }
0x134: {  	v14 =	vmul.f32 v5, v10;
	v11 =	vmul.f32 v4, v9;
	_ =	sdelay $0x1  }
0x135: {  	v61 =	vmul.f32 v7, v60;
	v11 =	vadd.f32 v14, v11  }
0x136: {  	v15, _, _ =	vpop (xrf2)  }
0x137: {  	v62 =	vmul.f32 v8, v13;
	v11 =	vadd.f32 v61, v11;
	v15 =	vbroadcast v15, $0xF;
	_ =	sdelay $0x1  }
0x138: {  	v11 =	vadd.f32 v62, v11;
	(erf) = vrcp.f32 v15;
	_ =	sdelay $0x1  }
0x139: {  	(xrf2) =	vadd.scan.msk.f32 $0xffff, v11;
	_ =	sdelay $0x6  }
0x13a: {  	v11 =	vpop (erf)  }
0x13b: {  	v9 =	vmul.f32 v11, v9  }
0x13c: {  	v10 =	vmul.f32 v11, v10  }
0x13d: {  	v63, _, _ =	vpop (xrf2);
	v12 =	vmul.f32 v11, v60;
	[tilespmem:s23+$0xFFFFFFD0] =	vst v9  }
0x13e: {  	v13 =	vmul.f32 v11, v13;
	v9 =	vbroadcast v63, $0xF;
	[tilespmem:s23+$0xFFFFFFE0] =	vst v10  }
0x13f: {  	s25 =	simm.s32 $0x0;
	[tilespmem:s23+$0xFFFFFFF0] =	vst v12  }
0x140: {  	s29 =	sadd.s32 $0x40, s24;
	v10 =	vmov s25;
	[tilespmem:s23+$0x0] =	vst v13;
	v9 =	vmul.f32 v11, v9  }
0x141: {  	s26 =	simm.s32 $0x1;
	vm0 =	veq.s32 v10, v0;
	v10 =	vld [tilespmem:s29+$0xFFFFFFE0];
	v11 =	vimm.f32 $0.0e+00  }
0x142: {  	s30 =	simm.s32 $0x2;
	s28 =	smov.u32 s23;
	s25 =	sshll.u32 s22, $0x4;
	v9 =	vsel vm0, v9, v11;
	v11 =	vld [tilespmem:s29+$0xFFFFFFF0]  }
.LBB2_11:
0x143: {  	p0 =	sne.s32 s30, $0xF;
	v12 =	vld [tilespmem:s29+$0x0]  }
0x144: {  	v13 =	vld [tilespmem:s29+$0x10];
	_ =	sdelay $0x1  }
0x145: {  	v10 =	vmul.f32 $1.442695020e+00, v10  }
0x146: {  	v11 =	vmul.f32 $1.442695020e+00, v11  }
0x147: {  	(erf) = vpow2.f32 v10  }
0x148: {  	v10 =	vmul.f32 $1.442695020e+00, v12;
	(erf) = vpow2.f32 v11;
	_ =	sdelay $0x1  }
0x149: {  	v11 =	vmul.f32 $1.442695020e+00, v13;
	(erf) = vpow2.f32 v10;
	_ =	sdelay $0x1  }
0x14a: {  	(erf) = vpow2.f32 v11;
	_ =	sdelay $0x3  }
0x14b: {  	v10 =	vpop (erf)  }
0x14c: {  	v11 =	vmul.f32 v4, v10;
	v12 =	vpop (erf)  }
0x14d: {  	v13 =	vadd.f32 v12, v10;
	v14 =	vmul.f32 v5, v12  }
0x14e: {  	v15 =	vpop (erf)  }
0x14f: {  	v13 =	vadd.f32 v15, v13;
	v11 =	vadd.f32 v14, v11;
	v14 =	vmul.f32 v7, v15  }
0x150: {  	v16 =	vpop (erf)  }
0x151: {  	v13 =	vadd.f32 v16, v13;
	v11 =	vadd.f32 v14, v11;
	v14 =	vmul.f32 v8, v16;
	_ =	sdelay $0x1  }
0x152: {  	v11 =	vadd.f32 v14, v11;
	(xrf2) =	vadd.scan.msk.f32 $0xffff, v13;
	_ =	sdelay $0x2  }
0x153: {  	(xrf2) =	vadd.scan.msk.f32 $0xffff, v11;
	_ =	sdelay $0x6  }
0x154: {  	v11, _, _ =	vpop (xrf2)  }
0x155: {  	v11 =	vbroadcast v11, $0xF;
	_ =	sdelay $0x1  }
0x156: {  	v13, _, _ =	vpop (xrf2);
	(erf) = vrcp.f32 v11  }
0x157: {  	v11 =	vbroadcast v13, $0xF;
	_ =	sdelay $0x7  }
0x158: {  	v13 =	vpop (erf)  }
0x159: {  	v10 =	vmul.f32 v13, v10;
	v12 =	vmul.f32 v13, v12  }
0x15a: {  	s28 =	sadd.s32 $0x40, s28;
	v14 =	vmul.f32 v13, v15;
	v15 =	vmul.f32 v13, v16  }
0x15b: {  	v11 =	vmul.f32 v13, v11;
	[tilespmem:s28+$0xFFFFFFD0] =	vst v10;
	v10 =	vmov s26;
	s26 =	smov.u32 s30  }
.Ltmp4:
0x15c: {  	[tilespmem:s28+$0xFFFFFFE0] =	vst v12;
	vm0 =	veq.s32 v10, v0;
	(pc) =	sbr.rel @p0 .LBB2_11-.Ltmp4, $4  }
0x15d: {  	[tilespmem:s28+$0xFFFFFFF0] =	vst v14;
	v9 =	vsel vm0, v11, v9  }
0x15e: {  	s29 =	sadd.s32 $0x40, s29;
	[tilespmem:s28+$0x0] =	vst v15  }
0x15f: {  	v10 =	vld [tilespmem:s29+$0xFFFFFFE0]  }
0x160: {  	s30 =	sadd.s32 $0x1, s30;
	v11 =	vld [tilespmem:s29+$0xFFFFFFF0]  }
0x161: {  	_ = 	snop  }
0x162: {  	v12 =	vld [tilespmem:s29+$0x0];
	_ =	sdelay $0x1  }
0x163: {  	v13 =	vld [tilespmem:s29+$0x10];
	v10 =	vmul.f32 $1.442695020e+00, v10  }
0x164: {  	v11 =	vmul.f32 $1.442695020e+00, v11  }
0x165: {  	(erf) = vpow2.f32 v10  }
0x166: {  	v10 =	vmul.f32 $1.442695020e+00, v12;
	(erf) = vpow2.f32 v11;
	_ =	sdelay $0x1  }
0x167: {  	v11 =	vmul.f32 $1.442695020e+00, v13;
	(erf) = vpow2.f32 v10;
	_ =	sdelay $0x1  }
0x168: {  	(erf) = vpow2.f32 v11;
	_ =	sdelay $0x3  }
0x169: {  	v10 =	vpop (erf)  }
0x16a: {  	v11 =	vpop (erf)  }
0x16b: {  	v55 =	vadd.f32 v11, v10  }
0x16c: {  	v56 =	vpop (erf)  }
0x16d: {  	v12 =	vadd.f32 v56, v55  }
0x16e: {  	v14 =	vpop (erf)  }
0x16f: {  	v12 =	vadd.f32 v14, v12;
	_ =	sdelay $0x1  }
0x170: {  	(xrf2) =	vadd.scan.msk.f32 $0xffff, v12;
	_ =	sdelay $0x4  }
0x171: {  	v57 =	vmul.f32 v4, v10;
	v15 =	vmul.f32 v5, v11;
	_ =	sdelay $0x1  }
0x172: {  	v58 =	vmul.f32 v7, v56;
	v12 =	vadd.f32 v15, v57;
	_ =	sdelay $0x1  }
0x173: {  	v59 =	vmul.f32 v8, v14;
	v12 =	vadd.f32 v58, v12  }
0x174: {  	v16, _, _ =	vpop (xrf2)  }
0x175: {  	v12 =	vadd.f32 v59, v12;
	v60 =	vbroadcast v16, $0xF;
	_ =	sdelay $0x1  }
0x176: {  	(xrf2) =	vadd.scan.msk.f32 $0xffff, v12;
	(erf) = vrcp.f32 v60;
	_ =	sdelay $0x8  }
0x177: {  	v61 =	vpop (erf)  }
0x178: {  	s22 =	sadd.s32 $0x1, s22;
	v62, _, _ =	vpop (xrf2);
	v10 =	vmul.f32 v61, v10  }
0x179: {  	s28 =	sadd.s32 $0x40, s28;
	p0 =	sne.s32 s22, $0x5;
	v15 =	vbroadcast v62, $0xF;
	v11 =	vmul.f32 v61, v11  }
.Ltmp5:
0x17a: {  	v13 =	vmul.f32 v61, v56;
	[tilespmem:s28+$0xFFFFFFD0] =	vst v10;
	(pc) =	sbr.rel @p0 .LBB2_10-.Ltmp5, $4  }
0x17b: {  	v63 =	vmov s26;
	v12 =	vmul.f32 v61, v15;
	v10 =	vmul.f32 v61, v14;
	[tilespmem:s28+$0xFFFFFFE0] =	vst v11  }
0x17c: {  	vm0 =	veq.s32 v63, v0;
	[tilespmem:s28+$0xFFFFFFF0] =	vst v13  }
0x17d: {  	v9 =	vsel vm0, v12, v9;
	[tilespmem:s28+$0x0] =	vst v10  }
0x17e: {  	s23 =	sadd.s32 $0x400, s23;
	s24 =	sadd.s32 $0x400, s24;
	[tilespmem:s25+$0x3CF0] =	vst v9  }
0x17f: {  	[hbm4b:s13+s3] =	stream.linear.scatter [tilespmem:s18], [sflag:$0x3], $0x900, $0x38;
	[tilespmem:$0x3D40] =	vst v63  }
0x180: {  	_ = 	snop  }
0x181: {  	[hbm4b:s4+s3] =	stream.linear.scatter [tilespmem:s19], [sflag:$0x4], $0x44, $0x38;
	[tilespmem:$0x3D40] =	vst v63  }
0x182: {  	_ =	swait.ge [sflag:s15], $0x44  }
0x183: {  	[sflag:s15] =	ssyncset.done $0x0  }
0x184: {  	s21 =	sadd.s32 $0x1, s21;
	[sflag:s15] =	ssyncadd.s32 $0xFFFFFFBC  }
0x185: {  	p0 =	sne.s32 s21, s14;
	_ =	swait.ge [sflag:s20], $0x800  }
.Ltmp6:
0x186: {  	[sflag:s20] =	ssyncset.done $0x0;
	(pc) =	sbr.rel @p0 .LBB2_1-.Ltmp6, $4  }
0x187: {  	[sflag:s20] =	ssyncadd.s32 $0xFFFFF800  }
0x188: {  	_ =	swait.ge [sflag:s20], $0x900  }
0x189: {  	[sflag:s20] =	ssyncset.done $0x0  }
0x18a: {  	[sflag:s20] =	ssyncadd.s32 $0xFFFFF700  }
0x18b: {  	_ =	sfence.sel $0x180000  }
0x18c: {  	[bflag:$0x0] =	sbarrier.arrive $0xFFFF  }
0x18d: {  	p0 =	sne.s32 s2, $0x0;
	_ =	strace $0x90000047  }
0x18e: {  	s0 =	sadd.s32 @!p0 $0x100000, s1;
	[bflag:$0x2] =	sbarrier.arrive $0xFFFF  }
0x18f: {  	[sflag:s0] =	ssyncadd.tile.s32 @!p0 $0x1;
	_ =	shalt  }
.Lfunc_end2:
_tile_overlayer_lowered:
.L_overlay_start_2:
0x190: {  	(tag) =	ssettag $0x2  }
0x191: {  	s0 =	rddreg [dreg:$0x0];
	s2 =	stileid.u32  }
0x192: {  	s1 =	rddreg [dreg:$0x1];
	p0 =	sne.s32 s2, $0x0  }
0x193: {  	s3 =	rddreg [dreg:$0x2];
	[bflag:$0x3] =	sbarrier.arrive $0xFFFF;
	s2 =	simm.s32 @!p0 $0x1C04  }
0x194: {  	[timem:s3], [sflag:s2] =	dma.local @!p0 [hbm:s0], s1  }
0x195: {  	s0 =	simm.s32 @!p0 $0x4  }
0x196: {  	_ =	swait.ge @!p0 [sflag:s0], s1  }
0x197: {  	s1 =	ssub.s32 @!p0 $0x0, s1;
	[sflag:s0] =	ssyncset.done @!p0 $0x0  }
0x198: {  	[sflag:s0] =	ssyncadd.s32 @!p0 s1  }
0x199: {  	[bflag:$0x3] =	sbarrier.arrive $0xFFFF  }
0x19a: {  	_ =	shalt  }

</sc_bundles>
